<compile_context>
chip_gen: v7x
topology: tpu7x:2x2x1
jax: 0.10.2.dev20260603
libtpu: 0.0.44.dev20260713+nightly
codegen_flags: <defaults>
</compile_context>

<pallas_src>
import functools

import jax
import jax.numpy as jnp
from jax import lax
from jax.experimental import pallas as pl
from jax.experimental.pallas import tpu as pltpu
from jax.experimental.pallas import tpu_sc as plsc

N_NODES = 10000
D = 128
N_EDGES = 320000
EPS = 1e-5

NC = 2
NS = 16
DH = D // NC
EPW = N_EDGES // NS
K = 80
NCHUNK = EPW // K
NBUF = 5
N_PAD = 10240
ROWS_PER_SUB = N_PAD // NS
DEG_W = 16
LPR = K // 16

_mesh = plsc.VectorSubcoreMesh(core_axis_name="c", subcore_axis_name="s")


@functools.partial(
    pl.kernel,
    mesh=_mesh,
    compiler_params=pltpu.CompilerParams(use_tc_tiling_on_sc=False),
    out_type=[
        jax.ShapeDtypeStruct((N_PAD, D), jnp.float32),
        jax.ShapeDtypeStruct((N_PAD, NC * DEG_W), jnp.float32),
    ],
    scratch_types=[
        pltpu.VMEM((NCHUNK, K), jnp.int32),
        pltpu.VMEM((NCHUNK, K), jnp.int32),
        pltpu.VMEM((K, DEG_W), jnp.float32),
        *[pltpu.VMEM((K, DH), jnp.float32) for _ in range(NBUF)],
        pltpu.VMEM_SHARED((N_PAD, DH), jnp.float32),
        pltpu.VMEM_SHARED((N_PAD, DEG_W), jnp.float32),
        *[pltpu.SemaphoreType.DMA for _ in range(NBUF)],
    ],
)
def _sc_aggregate(x2_hbm, ei_hbm, zacc_hbm, zdeg_hbm,
                  acc_out_hbm, deg_out_hbm,
                  src_v, dst_v, ones_v, *rest):
    bufs = rest[:NBUF]
    acc_s = rest[NBUF]
    deg_s = rest[NBUF + 1]
    sems = rest[NBUF + 2:NBUF + 2 + NBUF]

    c = lax.axis_index("c")
    s = lax.axis_index("s")

    row0 = s * ROWS_PER_SUB
    src_cp = pltpu.make_async_copy(ei_hbm.at[0, s], src_v, sems[0])
    dst_cp = pltpu.make_async_copy(ei_hbm.at[1, s], dst_v, sems[1])
    zacc_cp = pltpu.make_async_copy(zacc_hbm.at[pl.ds(row0, ROWS_PER_SUB)],
                                    acc_s.at[pl.ds(row0, ROWS_PER_SUB)],
                                    sems[2])
    zdeg_cp = pltpu.make_async_copy(zdeg_hbm.at[pl.ds(row0, ROWS_PER_SUB)],
                                    deg_s.at[pl.ds(row0, ROWS_PER_SUB)],
                                    sems[3])
    for cp in (src_cp, dst_cp, zacc_cp, zdeg_cp):
        cp.start()

    one16 = jnp.ones((16,), jnp.float32)
    for i in range(K):
        ones_v[i, :] = one16

    two = jnp.full((16,), 2, jnp.int32)
    coff = jnp.full((16,), 1, jnp.int32) * c
    src_cp.wait()

    def adj(r, carry):
        for q in range(LPR):
            v = src_v[r, pl.ds(q * 16, 16)]
            src_v[r, pl.ds(q * 16, 16)] = v * two + coff
        return carry

    lax.fori_loop(0, NCHUNK, adj, 0)

    dst_cp.wait()
    zacc_cp.wait()
    zdeg_cp.wait()
    plsc.subcore_barrier()

    def gather_start(j, b):
        pltpu.make_async_copy(x2_hbm.at[src_v.at[j]], bufs[b], sems[b]).start()

    def gather_wait(j, b):
        pltpu.make_async_copy(x2_hbm.at[src_v.at[j]], bufs[b], sems[b]).wait()

    def scatter(j, b):
        pltpu.sync_copy(bufs[b], acc_s.at[dst_v.at[j]], add=True)
        do_deg = jnp.logical_xor(j < NCHUNK // 2, c == 1)

        @pl.when(do_deg)
        def _():
            pltpu.sync_copy(ones_v, deg_s.at[dst_v.at[j]], add=True)

    for b in range(NBUF):
        gather_start(b, b)

    def outer(o, carry):
        base = o * NBUF
        for b in range(NBUF):
            j = base + b
            gather_wait(j, b)
            scatter(j, b)
            gather_start(j + NBUF, b)
        return carry

    lax.fori_loop(0, NCHUNK // NBUF - 1, outer, 0)

    base = NCHUNK - NBUF
    for b in range(NBUF):
        gather_wait(base + b, b)
        scatter(base + b, b)

    plsc.subcore_barrier()

    out_cp = pltpu.make_async_copy(
        acc_s.at[pl.ds(row0, ROWS_PER_SUB)],
        acc_out_hbm.at[pl.ds(row0, ROWS_PER_SUB), pl.ds(c * DH, DH)],
        sems[0])
    deg_cp = pltpu.make_async_copy(
        deg_s.at[pl.ds(row0, ROWS_PER_SUB)],
        deg_out_hbm.at[pl.ds(row0, ROWS_PER_SUB), pl.ds(c * DEG_W, DEG_W)],
        sems[1])
    out_cp.start()
    deg_cp.start()
    out_cp.wait()
    deg_cp.wait()


def _dense_body(p_ref, dp_ref, w_ref, b_ref, g_ref, be_ref, al_ref, o_ref):
    acc = p_ref[:N_NODES]
    deg = dp_ref[:N_NODES, 0:1] + dp_ref[:N_NODES, DEG_W:DEG_W + 1]
    agg = acc / jnp.maximum(deg, 1.0)
    h = jnp.dot(agg, w_ref[...], preferred_element_type=jnp.float32)
    h = h + b_ref[...]
    mean = jnp.mean(h, axis=0, keepdims=True)
    h_c = h - al_ref[...] * mean
    var = jnp.mean(h_c * h_c, axis=0, keepdims=True)
    out = g_ref[...] * (h_c * lax.rsqrt(var + EPS)) + be_ref[...]
    o_ref[...] = jnp.maximum(out, 0.0)


_dense = pl.pallas_call(
    _dense_body,
    out_shape=jax.ShapeDtypeStruct((N_NODES, D), jnp.float32),
)


def kernel(x, edge_index, W, b, gamma, beta, alpha):
    x2 = x.reshape(NC * N_NODES, DH)
    ei = edge_index.astype(jnp.int32).reshape(2, NS, NCHUNK, K)
    zacc = jnp.zeros((N_PAD, DH), jnp.float32)
    zdeg = jnp.zeros((N_PAD, DEG_W), jnp.float32)
    acc_p, deg_p = _sc_aggregate(x2, ei, zacc, zdeg)
    return _dense(acc_p, deg_p, W,
                  b.reshape(1, D), gamma.reshape(1, D),
                  beta.reshape(1, D), alpha.reshape(1, D))

# --- scband reference (transcript-rebuilt; emitter-appended) ---
"""Pipeline reference for scband-gnnlayer-12068858102067 (READ-ONLY COPY).

The authoritative reference and input builder live on the scoring server;
editing this copy changes nothing except your own understanding.
"""

import jax, jax.numpy as jnp
import numpy as np

N_NODES = 10000
D = 128
N_EDGES = 320000
EPS = 1e-5


def setup_inputs(seed: int = 0) -> dict:
    key = jax.random.key(seed)
    k_x, k_ei, k_w, k_b, k_g, k_be, k_a = jax.random.split(key, 7)
    x = jax.random.normal(k_x, (N_NODES, D), dtype=jnp.float32)
    edge_index = jax.random.randint(k_ei, (2, N_EDGES), 0, N_NODES, dtype=jnp.int64)
    # conv (GCN-style mean-aggregation) linear weights
    W = jax.random.normal(k_w, (D, D), dtype=jnp.float32) * (1.0 / np.sqrt(D))
    b = jnp.zeros((D,), dtype=jnp.float32)
    # GraphNorm parameters
    gamma = jnp.ones((D,), dtype=jnp.float32)
    beta = jnp.zeros((D,), dtype=jnp.float32)
    alpha = jnp.ones((D,), dtype=jnp.float32)
    return {"x": x, "edge_index": edge_index, "W": W, "b": b,
            "gamma": gamma, "beta": beta, "alpha": alpha}


def reference(x, edge_index, W, b, gamma, beta, alpha):
    src = edge_index[0]
    dst = edge_index[1]
    n = x.shape[0]
    # message passing: gather from src, scatter-add (mean) to dst
    msgs = jnp.take(x, src, axis=0)
    agg = jax.ops.segment_sum(msgs, dst, num_segments=n)
    deg = jax.ops.segment_sum(jnp.ones((src.shape[0],), dtype=x.dtype), dst, num_segments=n)
    agg = agg / jnp.clip(deg, 1.0)[:, None]
    # linear transform
    h = agg @ W + b
    # GraphNorm (single graph: normalize over the node dimension)
    mean = jnp.mean(h, axis=0)
    h_c = h - alpha * mean
    var = jnp.mean(h_c * h_c, axis=0)
    h_n = h_c / jnp.sqrt(var + EPS)
    out = gamma * h_n + beta
    return jax.nn.relu(out)

if __name__ == "__main__":
    import jax
    _d = setup_inputs()
    print(jax.jit(kernel)(*tuple(_d.values())))

</pallas_src>

<mosaic_0001>
#map = affine_map<(d0, d1) -> (0, 0)>
#map1 = affine_map<(d0, d1) -> (0, 0, 0, 0)>
module attributes {stable_mosaic.version = 14 : i64} {
  func.func @_sc_aggregate(%arg0: i32, %arg1: i32, %arg2: memref<20000x64xf32, #tpu.memory_space<hbm>>, %arg3: memref<2x16x250x80xi32, #tpu.memory_space<hbm>>, %arg4: memref<10240x64xf32, #tpu.memory_space<hbm>>, %arg5: memref<10240x16xf32, #tpu.memory_space<hbm>>, %arg6: memref<10240x128xf32, #tpu.memory_space<hbm>>, %arg7: memref<10240x32xf32, #tpu.memory_space<hbm>>, %arg8: memref<250x80xi32, #tpu.memory_space<vmem>>, %arg9: memref<250x80xi32, #tpu.memory_space<vmem>>, %arg10: memref<80x16xf32, #tpu.memory_space<vmem>>, %arg11: memref<80x64xf32, #tpu.memory_space<vmem>>, %arg12: memref<80x64xf32, #tpu.memory_space<vmem>>, %arg13: memref<80x64xf32, #tpu.memory_space<vmem>>, %arg14: memref<80x64xf32, #tpu.memory_space<vmem>>, %arg15: memref<80x64xf32, #tpu.memory_space<vmem>>, %arg16: memref<10240x64xf32, #tpu.memory_space<vmem_shared>>, %arg17: memref<10240x16xf32, #tpu.memory_space<vmem_shared>>, %arg18: memref<!tpu.dma_semaphore, #tpu.memory_space<semaphore_mem>>, %arg19: memref<!tpu.dma_semaphore, #tpu.memory_space<semaphore_mem>>, %arg20: memref<!tpu.dma_semaphore, #tpu.memory_space<semaphore_mem>>, %arg21: memref<!tpu.dma_semaphore, #tpu.memory_space<semaphore_mem>>, %arg22: memref<!tpu.dma_semaphore, #tpu.memory_space<semaphore_mem>>) attributes {dimension_semantics = [#tpu.dimension_semantics<core_parallel>, #tpu.dimension_semantics<subcore_parallel>], iteration_bounds = array<i64: 2, 16>, scalar_prefetch = 0 : i64, scratch_operands = 15 : i64, tpu.core_type = #tpu.core_type<sc_vector_subcore>, window_params = [{transform_indices = #map}, {transform_indices = #map1}, {transform_indices = #map}, {transform_indices = #map}, {transform_indices = #map}, {transform_indices = #map}]} {
    %mul3A = arith.constant 640 : i32
    %mul3A_0 = arith.muli %arg1, %mul3A : i32
    %dma_start3A = arith.constant 0 : i32
    %dma_start3A_1 = arith.constant 0 : i32
    %dma_start3A_2 = arith.constant 0 : i32
    %dma_start3A_3 = tpu.memref_slice %arg3[%dma_start3A, %arg1, %dma_start3A_1, %dma_start3A_2] : memref<2x16x250x80xi32, #tpu.memory_space<hbm>> -> memref<1x1x250x80xi32, #tpu.memory_space<hbm>>
    %dma_start3A_4 = tpu.memref_squeeze %dma_start3A_3 : memref<1x1x250x80xi32, #tpu.memory_space<hbm>> -> memref<250x80xi32, #tpu.memory_space<hbm>>
    %dma_start3A_5 = arith.constant 0 : i32
    %dma_start3A_6 = arith.constant 0 : i32
    %dma_start3A_7 = tpu.memref_slice %arg3[%dma_start3A, %arg1, %dma_start3A_5, %dma_start3A_6] : memref<2x16x250x80xi32, #tpu.memory_space<hbm>> -> memref<1x1x250x80xi32, #tpu.memory_space<hbm>>
    %dma_start3A_8 = tpu.memref_squeeze %dma_start3A_7 : memref<1x1x250x80xi32, #tpu.memory_space<hbm>> -> memref<250x80xi32, #tpu.memory_space<hbm>>
    tpu.enqueue_dma source(%dma_start3A_8 : memref<250x80xi32, #tpu.memory_space<hbm>>) target(%arg8 : memref<250x80xi32, #tpu.memory_space<vmem>>) target_semaphore(%arg18 : memref<!tpu.dma_semaphore, #tpu.memory_space<semaphore_mem>>)
    %dma_start3A_9 = arith.constant 1 : i32
    %dma_start3A_10 = arith.constant 0 : i32
    %dma_start3A_11 = arith.constant 0 : i32
    %dma_start3A_12 = tpu.memref_slice %arg3[%dma_start3A_9, %arg1, %dma_start3A_10, %dma_start3A_11] : memref<2x16x250x80xi32, #tpu.memory_space<hbm>> -> memref<1x1x250x80xi32, #tpu.memory_space<hbm>>
    %dma_start3A_13 = tpu.memref_squeeze %dma_start3A_12 : memref<1x1x250x80xi32, #tpu.memory_space<hbm>> -> memref<250x80xi32, #tpu.memory_space<hbm>>
    %dma_start3A_14 = arith.constant 0 : i32
    %dma_start3A_15 = arith.constant 0 : i32
    %dma_start3A_16 = tpu.memref_slice %arg3[%dma_start3A_9, %arg1, %dma_start3A_14, %dma_start3A_15] : memref<2x16x250x80xi32, #tpu.memory_space<hbm>> -> memref<1x1x250x80xi32, #tpu.memory_space<hbm>>
    %dma_start3A_17 = tpu.memref_squeeze %dma_start3A_16 : memref<1x1x250x80xi32, #tpu.memory_space<hbm>> -> memref<250x80xi32, #tpu.memory_space<hbm>>
    tpu.enqueue_dma source(%dma_start3A_17 : memref<250x80xi32, #tpu.memory_space<hbm>>) target(%arg9 : memref<250x80xi32, #tpu.memory_space<vmem>>) target_semaphore(%arg19 : memref<!tpu.dma_semaphore, #tpu.memory_space<semaphore_mem>>)
    %dma_start3A_18 = arith.constant 0 : i32
    %dma_start3A_19 = tpu.memref_slice %arg16[%mul3A_0, %dma_start3A_18] : memref<10240x64xf32, #tpu.memory_space<vmem_shared>> -> memref<640x64xf32, #tpu.memory_space<vmem_shared>>
    %dma_start3A_20 = arith.constant 0 : i32
    %dma_start3A_21 = tpu.memref_slice %arg4[%mul3A_0, %dma_start3A_20] : memref<10240x64xf32, #tpu.memory_space<hbm>> -> memref<640x64xf32, #tpu.memory_space<hbm>>
    tpu.enqueue_dma source(%dma_start3A_21 : memref<640x64xf32, #tpu.memory_space<hbm>>) target(%dma_start3A_19 : memref<640x64xf32, #tpu.memory_space<vmem_shared>>) target_semaphore(%arg20 : memref<!tpu.dma_semaphore, #tpu.memory_space<semaphore_mem>>)
    %dma_start3A_22 = arith.constant 0 : i32
    %dma_start3A_23 = tpu.memref_slice %arg17[%mul3A_0, %dma_start3A_22] : memref<10240x16xf32, #tpu.memory_space<vmem_shared>> -> memref<640x16xf32, #tpu.memory_space<vmem_shared>>
    %dma_start3A_24 = arith.constant 0 : i32
    %dma_start3A_25 = tpu.memref_slice %arg5[%mul3A_0, %dma_start3A_24] : memref<10240x16xf32, #tpu.memory_space<hbm>> -> memref<640x16xf32, #tpu.memory_space<hbm>>
    tpu.enqueue_dma source(%dma_start3A_25 : memref<640x16xf32, #tpu.memory_space<hbm>>) target(%dma_start3A_23 : memref<640x16xf32, #tpu.memory_space<vmem_shared>>) target_semaphore(%arg21 : memref<!tpu.dma_semaphore, #tpu.memory_space<semaphore_mem>>)
    %broadcast_in_dim3A = arith.constant 1.000000e+00 : f32
    %broadcast_in_dim3A_26 = vector.broadcast %broadcast_in_dim3A : f32 to vector<16xf32>
    %swap3A = arith.constant 0 : i32
    %swap3A_27 = arith.index_cast %swap3A : i32 to index
    %swap3A_28 = arith.constant 0 : index
    %swap3A_29 = tpu.vector_load %arg10[%swap3A_27, %swap3A_28] {strides = array<i32>} : memref<80x16xf32, #tpu.memory_space<vmem>>, vector<1x16xf32>,
    %swap3A_30 = vector.shape_cast %swap3A_29 : vector<1x16xf32> to vector<16xf32>
    %swap3A_31 = vector.shape_cast %broadcast_in_dim3A_26 : vector<16xf32> to vector<1x16xf32>
    tpu.vector_store %arg10[%swap3A_27, %swap3A_28], %swap3A_31 {strides = array<i32>} : memref<80x16xf32, #tpu.memory_space<vmem>>, vector<1x16xf32>,
    %swap3A_32 = arith.constant 1 : i32
    %swap3A_33 = arith.index_cast %swap3A_32 : i32 to index
    %swap3A_34 = arith.constant 0 : index
    %swap3A_35 = tpu.vector_load %arg10[%swap3A_33, %swap3A_34] {strides = array<i32>} : memref<80x16xf32, #tpu.memory_space<vmem>>, vector<1x16xf32>,
    %swap3A_36 = vector.shape_cast %swap3A_35 : vector<1x16xf32> to vector<16xf32>
    %swap3A_37 = vector.shape_cast %broadcast_in_dim3A_26 : vector<16xf32> to vector<1x16xf32>
    tpu.vector_store %arg10[%swap3A_33, %swap3A_34], %swap3A_37 {strides = array<i32>} : memref<80x16xf32, #tpu.memory_space<vmem>>, vector<1x16xf32>,
    %swap3A_38 = arith.constant 2 : i32
    %swap3A_39 = arith.index_cast %swap3A_38 : i32 to index
    %swap3A_40 = arith.constant 0 : index
    %swap3A_41 = tpu.vector_load %arg10[%swap3A_39, %swap3A_40] {strides = array<i32>} : memref<80x16xf32, #tpu.memory_space<vmem>>, vector<1x16xf32>,
    %swap3A_42 = vector.shape_cast %swap3A_41 : vector<1x16xf32> to vector<16xf32>
    %swap3A_43 = vector.shape_cast %broadcast_in_dim3A_26 : vector<16xf32> to vector<1x16xf32>
    tpu.vector_store %arg10[%swap3A_39, %swap3A_40], %swap3A_43 {strides = array<i32>} : memref<80x16xf32, #tpu.memory_space<vmem>>, vector<1x16xf32>,
    %swap3A_44 = arith.constant 3 : i32
    %swap3A_45 = arith.index_cast %swap3A_44 : i32 to index
    %swap3A_46 = arith.constant 0 : index
    %swap3A_47 = tpu.vector_load %arg10[%swap3A_45, %swap3A_46] {strides = array<i32>} : memref<80x16xf32, #tpu.memory_space<vmem>>, vector<1x16xf32>,
    %swap3A_48 = vector.shape_cast %swap3A_47 : vector<1x16xf32> to vector<16xf32>
    %swap3A_49 = vector.shape_cast %broadcast_in_dim3A_26 : vector<16xf32> to vector<1x16xf32>
    tpu.vector_store %arg10[%swap3A_45, %swap3A_46], %swap3A_49 {strides = array<i32>} : memref<80x16xf32, #tpu.memory_space<vmem>>, vector<1x16xf32>,
    %swap3A_50 = arith.constant 4 : i32
    %swap3A_51 = arith.index_cast %swap3A_50 : i32 to index
    %swap3A_52 = arith.constant 0 : index
    %swap3A_53 = tpu.vector_load %arg10[%swap3A_51, %swap3A_52] {strides = array<i32>} : memref<80x16xf32, #tpu.memory_space<vmem>>, vector<1x16xf32>,
    %swap3A_54 = vector.shape_cast %swap3A_53 : vector<1x16xf32> to vector<16xf32>
    %swap3A_55 = vector.shape_cast %broadcast_in_dim3A_26 : vector<16xf32> to vector<1x16xf32>
    tpu.vector_store %arg10[%swap3A_51, %swap3A_52], %swap3A_55 {strides = array<i32>} : memref<80x16xf32, #tpu.memory_space<vmem>>, vector<1x16xf32>,
    %swap3A_56 = arith.constant 5 : i32
    %swap3A_57 = arith.index_cast %swap3A_56 : i32 to index
    %swap3A_58 = arith.constant 0 : index
    %swap3A_59 = tpu.vector_load %arg10[%swap3A_57, %swap3A_58] {strides = array<i32>} : memref<80x16xf32, #tpu.memory_space<vmem>>, vector<1x16xf32>,
    %swap3A_60 = vector.shape_cast %swap3A_59 : vector<1x16xf32> to vector<16xf32>
    %swap3A_61 = vector.shape_cast %broadcast_in_dim3A_26 : vector<16xf32> to vector<1x16xf32>
    tpu.vector_store %arg10[%swap3A_57, %swap3A_58], %swap3A_61 {strides = array<i32>} : memref<80x16xf32, #tpu.memory_space<vmem>>, vector<1x16xf32>,
    %swap3A_62 = arith.constant 6 : i32
    %swap3A_63 = arith.index_cast %swap3A_62 : i32 to index
    %swap3A_64 = arith.constant 0 : index
    %swap3A_65 = tpu.vector_load %arg10[%swap3A_63, %swap3A_64] {strides = array<i32>} : memref<80x16xf32, #tpu.memory_space<vmem>>, vector<1x16xf32>,
    %swap3A_66 = vector.shape_cast %swap3A_65 : vector<1x16xf32> to vector<16xf32>
    %swap3A_67 = vector.shape_cast %broadcast_in_dim3A_26 : vector<16xf32> to vector<1x16xf32>
    tpu.vector_store %arg10[%swap3A_63, %swap3A_64], %swap3A_67 {strides = array<i32>} : memref<80x16xf32, #tpu.memory_space<vmem>>, vector<1x16xf32>,
    %swap3A_68 = arith.constant 7 : i32
    %swap3A_69 = arith.index_cast %swap3A_68 : i32 to index
    %swap3A_70 = arith.constant 0 : index
    %swap3A_71 = tpu.vector_load %arg10[%swap3A_69, %swap3A_70] {strides = array<i32>} : memref<80x16xf32, #tpu.memory_space<vmem>>, vector<1x16xf32>,
    %swap3A_72 = vector.shape_cast %swap3A_71 : vector<1x16xf32> to vector<16xf32>
    %swap3A_73 = vector.shape_cast %broadcast_in_dim3A_26 : vector<16xf32> to vector<1x16xf32>
    tpu.vector_store %arg10[%swap3A_69, %swap3A_70], %swap3A_73 {strides = array<i32>} : memref<80x16xf32, #tpu.memory_space<vmem>>, vector<1x16xf32>,
    %swap3A_74 = arith.constant 8 : i32
    %swap3A_75 = arith.index_cast %swap3A_74 : i32 to index
    %swap3A_76 = arith.constant 0 : index
    %swap3A_77 = tpu.vector_load %arg10[%swap3A_75, %swap3A_76] {strides = array<i32>} : memref<80x16xf32, #tpu.memory_space<vmem>>, vector<1x16xf32>,
    %swap3A_78 = vector.shape_cast %swap3A_77 : vector<1x16xf32> to vector<16xf32>
    %swap3A_79 = vector.shape_cast %broadcast_in_dim3A_26 : vector<16xf32> to vector<1x16xf32>
    tpu.vector_store %arg10[%swap3A_75, %swap3A_76], %swap3A_79 {strides = array<i32>} : memref<80x16xf32, #tpu.memory_space<vmem>>, vector<1x16xf32>,
    %swap3A_80 = arith.constant 9 : i32
    %swap3A_81 = arith.index_cast %swap3A_80 : i32 to index
    %swap3A_82 = arith.constant 0 : index
    %swap3A_83 = tpu.vector_load %arg10[%swap3A_81, %swap3A_82] {strides = array<i32>} : memref<80x16xf32, #tpu.memory_space<vmem>>, vector<1x16xf32>,
    %swap3A_84 = vector.shape_cast %swap3A_83 : vector<1x16xf32> to vector<16xf32>
    %swap3A_85 = vector.shape_cast %broadcast_in_dim3A_26 : vector<16xf32> to vector<1x16xf32>
    tpu.vector_store %arg10[%swap3A_81, %swap3A_82], %swap3A_85 {strides = array<i32>} : memref<80x16xf32, #tpu.memory_space<vmem>>, vector<1x16xf32>,
    %swap3A_86 = arith.constant 10 : i32
    %swap3A_87 = arith.index_cast %swap3A_86 : i32 to index
    %swap3A_88 = arith.constant 0 : index
    %swap3A_89 = tpu.vector_load %arg10[%swap3A_87, %swap3A_88] {strides = array<i32>} : memref<80x16xf32, #tpu.memory_space<vmem>>, vector<1x16xf32>,
    %swap3A_90 = vector.shape_cast %swap3A_89 : vector<1x16xf32> to vector<16xf32>
    %swap3A_91 = vector.shape_cast %broadcast_in_dim3A_26 : vector<16xf32> to vector<1x16xf32>
    tpu.vector_store %arg10[%swap3A_87, %swap3A_88], %swap3A_91 {strides = array<i32>} : memref<80x16xf32, #tpu.memory_space<vmem>>, vector<1x16xf32>,
    %swap3A_92 = arith.constant 11 : i32
    %swap3A_93 = arith.index_cast %swap3A_92 : i32 to index
    %swap3A_94 = arith.constant 0 : index
    %swap3A_95 = tpu.vector_load %arg10[%swap3A_93, %swap3A_94] {strides = array<i32>} : memref<80x16xf32, #tpu.memory_space<vmem>>, vector<1x16xf32>,
    %swap3A_96 = vector.shape_cast %swap3A_95 : vector<1x16xf32> to vector<16xf32>
    %swap3A_97 = vector.shape_cast %broadcast_in_dim3A_26 : vector<16xf32> to vector<1x16xf32>
    tpu.vector_store %arg10[%swap3A_93, %swap3A_94], %swap3A_97 {strides = array<i32>} : memref<80x16xf32, #tpu.memory_space<vmem>>, vector<1x16xf32>,
    %swap3A_98 = arith.constant 12 : i32
    %swap3A_99 = arith.index_cast %swap3A_98 : i32 to index
    %swap3A_100 = arith.constant 0 : index
    %swap3A_101 = tpu.vector_load %arg10[%swap3A_99, %swap3A_100] {strides = array<i32>} : memref<80x16xf32, #tpu.memory_space<vmem>>, vector<1x16xf32>,
    %swap3A_102 = vector.shape_cast %swap3A_101 : vector<1x16xf32> to vector<16xf32>
    %swap3A_103 = vector.shape_cast %broadcast_in_dim3A_26 : vector<16xf32> to vector<1x16xf32>
    tpu.vector_store %arg10[%swap3A_99, %swap3A_100], %swap3A_103 {strides = array<i32>} : memref<80x16xf32, #tpu.memory_space<vmem>>, vector<1x16xf32>,
    %swap3A_104 = arith.constant 13 : i32
    %swap3A_105 = arith.index_cast %swap3A_104 : i32 to index
    %swap3A_106 = arith.constant 0 : index
    %swap3A_107 = tpu.vector_load %arg10[%swap3A_105, %swap3A_106] {strides = array<i32>} : memref<80x16xf32, #tpu.memory_space<vmem>>, vector<1x16xf32>,
    %swap3A_108 = vector.shape_cast %swap3A_107 : vector<1x16xf32> to vector<16xf32>
    %swap3A_109 = vector.shape_cast %broadcast_in_dim3A_26 : vector<16xf32> to vector<1x16xf32>
    tpu.vector_store %arg10[%swap3A_105, %swap3A_106], %swap3A_109 {strides = array<i32>} : memref<80x16xf32, #tpu.memory_space<vmem>>, vector<1x16xf32>,
    %swap3A_110 = arith.constant 14 : i32
    %swap3A_111 = arith.index_cast %swap3A_110 : i32 to index
    %swap3A_112 = arith.constant 0 : index
    %swap3A_113 = tpu.vector_load %arg10[%swap3A_111, %swap3A_112] {strides = array<i32>} : memref<80x16xf32, #tpu.memory_space<vmem>>, vector<1x16xf32>,
    %swap3A_114 = vector.shape_cast %swap3A_113 : vector<1x16xf32> to vector<16xf32>
    %swap3A_115 = vector.shape_cast %broadcast_in_dim3A_26 : vector<16xf32> to vector<1x16xf32>
    tpu.vector_store %arg10[%swap3A_111, %swap3A_112], %swap3A_115 {strides = array<i32>} : memref<80x16xf32, #tpu.memory_space<vmem>>, vector<1x16xf32>,
    %swap3A_116 = arith.constant 15 : i32
    %swap3A_117 = arith.index_cast %swap3A_116 : i32 to index
    %swap3A_118 = arith.constant 0 : index
    %swap3A_119 = tpu.vector_load %arg10[%swap3A_117, %swap3A_118] {strides = array<i32>} : memref<80x16xf32, #tpu.memory_space<vmem>>, vector<1x16xf32>,
    %swap3A_120 = vector.shape_cast %swap3A_119 : vector<1x16xf32> to vector<16xf32>
    %swap3A_121 = vector.shape_cast %broadcast_in_dim3A_26 : vector<16xf32> to vector<1x16xf32>
    tpu.vector_store %arg10[%swap3A_117, %swap3A_118], %swap3A_121 {strides = array<i32>} : memref<80x16xf32, #tpu.memory_space<vmem>>, vector<1x16xf32>,
    %swap3A_122 = arith.constant 16 : i32
    %swap3A_123 = arith.index_cast %swap3A_122 : i32 to index
    %swap3A_124 = arith.constant 0 : index
    %swap3A_125 = tpu.vector_load %arg10[%swap3A_123, %swap3A_124] {strides = array<i32>} : memref<80x16xf32, #tpu.memory_space<vmem>>, vector<1x16xf32>,
    %swap3A_126 = vector.shape_cast %swap3A_125 : vector<1x16xf32> to vector<16xf32>
    %swap3A_127 = vector.shape_cast %broadcast_in_dim3A_26 : vector<16xf32> to vector<1x16xf32>
    tpu.vector_store %arg10[%swap3A_123, %swap3A_124], %swap3A_127 {strides = array<i32>} : memref<80x16xf32, #tpu.memory_space<vmem>>, vector<1x16xf32>,
    %swap3A_128 = arith.constant 17 : i32
    %swap3A_129 = arith.index_cast %swap3A_128 : i32 to index
    %swap3A_130 = arith.constant 0 : index
    %swap3A_131 = tpu.vector_load %arg10[%swap3A_129, %swap3A_130] {strides = array<i32>} : memref<80x16xf32, #tpu.memory_space<vmem>>, vector<1x16xf32>,
    %swap3A_132 = vector.shape_cast %swap3A_131 : vector<1x16xf32> to vector<16xf32>
    %swap3A_133 = vector.shape_cast %broadcast_in_dim3A_26 : vector<16xf32> to vector<1x16xf32>
    tpu.vector_store %arg10[%swap3A_129, %swap3A_130], %swap3A_133 {strides = array<i32>} : memref<80x16xf32, #tpu.memory_space<vmem>>, vector<1x16xf32>,
    %swap3A_134 = arith.constant 18 : i32
    %swap3A_135 = arith.index_cast %swap3A_134 : i32 to index
    %swap3A_136 = arith.constant 0 : index
    %swap3A_137 = tpu.vector_load %arg10[%swap3A_135, %swap3A_136] {strides = array<i32>} : memref<80x16xf32, #tpu.memory_space<vmem>>, vector<1x16xf32>,
    %swap3A_138 = vector.shape_cast %swap3A_137 : vector<1x16xf32> to vector<16xf32>
    %swap3A_139 = vector.shape_cast %broadcast_in_dim3A_26 : vector<16xf32> to vector<1x16xf32>
    tpu.vector_store %arg10[%swap3A_135, %swap3A_136], %swap3A_139 {strides = array<i32>} : memref<80x16xf32, #tpu.memory_space<vmem>>, vector<1x16xf32>,
    %swap3A_140 = arith.constant 19 : i32
    %swap3A_141 = arith.index_cast %swap3A_140 : i32 to index
    %swap3A_142 = arith.constant 0 : index
    %swap3A_143 = tpu.vector_load %arg10[%swap3A_141, %swap3A_142] {strides = array<i32>} : memref<80x16xf32, #tpu.memory_space<vmem>>, vector<1x16xf32>,
    %swap3A_144 = vector.shape_cast %swap3A_143 : vector<1x16xf32> to vector<16xf32>
    %swap3A_145 = vector.shape_cast %broadcast_in_dim3A_26 : vector<16xf32> to vector<1x16xf32>
    tpu.vector_store %arg10[%swap3A_141, %swap3A_142], %swap3A_145 {strides = array<i32>} : memref<80x16xf32, #tpu.memory_space<vmem>>, vector<1x16xf32>,
    %swap3A_146 = arith.constant 20 : i32
    %swap3A_147 = arith.index_cast %swap3A_146 : i32 to index
    %swap3A_148 = arith.constant 0 : index
    %swap3A_149 = tpu.vector_load %arg10[%swap3A_147, %swap3A_148] {strides = array<i32>} : memref<80x16xf32, #tpu.memory_space<vmem>>, vector<1x16xf32>,
    %swap3A_150 = vector.shape_cast %swap3A_149 : vector<1x16xf32> to vector<16xf32>
    %swap3A_151 = vector.shape_cast %broadcast_in_dim3A_26 : vector<16xf32> to vector<1x16xf32>
    tpu.vector_store %arg10[%swap3A_147, %swap3A_148], %swap3A_151 {strides = array<i32>} : memref<80x16xf32, #tpu.memory_space<vmem>>, vector<1x16xf32>,
    %swap3A_152 = arith.constant 21 : i32
    %swap3A_153 = arith.index_cast %swap3A_152 : i32 to index
    %swap3A_154 = arith.constant 0 : index
    %swap3A_155 = tpu.vector_load %arg10[%swap3A_153, %swap3A_154] {strides = array<i32>} : memref<80x16xf32, #tpu.memory_space<vmem>>, vector<1x16xf32>,
    %swap3A_156 = vector.shape_cast %swap3A_155 : vector<1x16xf32> to vector<16xf32>
    %swap3A_157 = vector.shape_cast %broadcast_in_dim3A_26 : vector<16xf32> to vector<1x16xf32>
    tpu.vector_store %arg10[%swap3A_153, %swap3A_154], %swap3A_157 {strides = array<i32>} : memref<80x16xf32, #tpu.memory_space<vmem>>, vector<1x16xf32>,
    %swap3A_158 = arith.constant 22 : i32
    %swap3A_159 = arith.index_cast %swap3A_158 : i32 to index
    %swap3A_160 = arith.constant 0 : index
    %swap3A_161 = tpu.vector_load %arg10[%swap3A_159, %swap3A_160] {strides = array<i32>} : memref<80x16xf32, #tpu.memory_space<vmem>>, vector<1x16xf32>,
    %swap3A_162 = vector.shape_cast %swap3A_161 : vector<1x16xf32> to vector<16xf32>
    %swap3A_163 = vector.shape_cast %broadcast_in_dim3A_26 : vector<16xf32> to vector<1x16xf32>
    tpu.vector_store %arg10[%swap3A_159, %swap3A_160], %swap3A_163 {strides = array<i32>} : memref<80x16xf32, #tpu.memory_space<vmem>>, vector<1x16xf32>,
    %swap3A_164 = arith.constant 23 : i32
    %swap3A_165 = arith.index_cast %swap3A_164 : i32 to index
    %swap3A_166 = arith.constant 0 : index
    %swap3A_167 = tpu.vector_load %arg10[%swap3A_165, %swap3A_166] {strides = array<i32>} : memref<80x16xf32, #tpu.memory_space<vmem>>, vector<1x16xf32>,
    %swap3A_168 = vector.shape_cast %swap3A_167 : vector<1x16xf32> to vector<16xf32>
    %swap3A_169 = vector.shape_cast %broadcast_in_dim3A_26 : vector<16xf32> to vector<1x16xf32>
    tpu.vector_store %arg10[%swap3A_165, %swap3A_166], %swap3A_169 {strides = array<i32>} : memref<80x16xf32, #tpu.memory_space<vmem>>, vector<1x16xf32>,
    %swap3A_170 = arith.constant 24 : i32
    %swap3A_171 = arith.index_cast %swap3A_170 : i32 to index
    %swap3A_172 = arith.constant 0 : index
    %swap3A_173 = tpu.vector_load %arg10[%swap3A_171, %swap3A_172] {strides = array<i32>} : memref<80x16xf32, #tpu.memory_space<vmem>>, vector<1x16xf32>,
    %swap3A_174 = vector.shape_cast %swap3A_173 : vector<1x16xf32> to vector<16xf32>
    %swap3A_175 = vector.shape_cast %broadcast_in_dim3A_26 : vector<16xf32> to vector<1x16xf32>
    tpu.vector_store %arg10[%swap3A_171, %swap3A_172], %swap3A_175 {strides = array<i32>} : memref<80x16xf32, #tpu.memory_space<vmem>>, vector<1x16xf32>,
    %swap3A_176 = arith.constant 25 : i32
    %swap3A_177 = arith.index_cast %swap3A_176 : i32 to index
    %swap3A_178 = arith.constant 0 : index
    %swap3A_179 = tpu.vector_load %arg10[%swap3A_177, %swap3A_178] {strides = array<i32>} : memref<80x16xf32, #tpu.memory_space<vmem>>, vector<1x16xf32>,
    %swap3A_180 = vector.shape_cast %swap3A_179 : vector<1x16xf32> to vector<16xf32>
    %swap3A_181 = vector.shape_cast %broadcast_in_dim3A_26 : vector<16xf32> to vector<1x16xf32>
    tpu.vector_store %arg10[%swap3A_177, %swap3A_178], %swap3A_181 {strides = array<i32>} : memref<80x16xf32, #tpu.memory_space<vmem>>, vector<1x16xf32>,
    %swap3A_182 = arith.constant 26 : i32
    %swap3A_183 = arith.index_cast %swap3A_182 : i32 to index
    %swap3A_184 = arith.constant 0 : index
    %swap3A_185 = tpu.vector_load %arg10[%swap3A_183, %swap3A_184] {strides = array<i32>} : memref<80x16xf32, #tpu.memory_space<vmem>>, vector<1x16xf32>,
    %swap3A_186 = vector.shape_cast %swap3A_185 : vector<1x16xf32> to vector<16xf32>
    %swap3A_187 = vector.shape_cast %broadcast_in_dim3A_26 : vector<16xf32> to vector<1x16xf32>
    tpu.vector_store %arg10[%swap3A_183, %swap3A_184], %swap3A_187 {strides = array<i32>} : memref<80x16xf32, #tpu.memory_space<vmem>>, vector<1x16xf32>,
    %swap3A_188 = arith.constant 27 : i32
    %swap3A_189 = arith.index_cast %swap3A_188 : i32 to index
    %swap3A_190 = arith.constant 0 : index
    %swap3A_191 = tpu.vector_load %arg10[%swap3A_189, %swap3A_190] {strides = array<i32>} : memref<80x16xf32, #tpu.memory_space<vmem>>, vector<1x16xf32>,
    %swap3A_192 = vector.shape_cast %swap3A_191 : vector<1x16xf32> to vector<16xf32>
    %swap3A_193 = vector.shape_cast %broadcast_in_dim3A_26 : vector<16xf32> to vector<1x16xf32>
    tpu.vector_store %arg10[%swap3A_189, %swap3A_190], %swap3A_193 {strides = array<i32>} : memref<80x16xf32, #tpu.memory_space<vmem>>, vector<1x16xf32>,
    %swap3A_194 = arith.constant 28 : i32
    %swap3A_195 = arith.index_cast %swap3A_194 : i32 to index
    %swap3A_196 = arith.constant 0 : index
    %swap3A_197 = tpu.vector_load %arg10[%swap3A_195, %swap3A_196] {strides = array<i32>} : memref<80x16xf32, #tpu.memory_space<vmem>>, vector<1x16xf32>,
    %swap3A_198 = vector.shape_cast %swap3A_197 : vector<1x16xf32> to vector<16xf32>
    %swap3A_199 = vector.shape_cast %broadcast_in_dim3A_26 : vector<16xf32> to vector<1x16xf32>
    tpu.vector_store %arg10[%swap3A_195, %swap3A_196], %swap3A_199 {strides = array<i32>} : memref<80x16xf32, #tpu.memory_space<vmem>>, vector<1x16xf32>,
    %swap3A_200 = arith.constant 29 : i32
    %swap3A_201 = arith.index_cast %swap3A_200 : i32 to index
    %swap3A_202 = arith.constant 0 : index
    %swap3A_203 = tpu.vector_load %arg10[%swap3A_201, %swap3A_202] {strides = array<i32>} : memref<80x16xf32, #tpu.memory_space<vmem>>, vector<1x16xf32>,
    %swap3A_204 = vector.shape_cast %swap3A_203 : vector<1x16xf32> to vector<16xf32>
    %swap3A_205 = vector.shape_cast %broadcast_in_dim3A_26 : vector<16xf32> to vector<1x16xf32>
    tpu.vector_store %arg10[%swap3A_201, %swap3A_202], %swap3A_205 {strides = array<i32>} : memref<80x16xf32, #tpu.memory_space<vmem>>, vector<1x16xf32>,
    %swap3A_206 = arith.constant 30 : i32
    %swap3A_207 = arith.index_cast %swap3A_206 : i32 to index
    %swap3A_208 = arith.constant 0 : index
    %swap3A_209 = tpu.vector_load %arg10[%swap3A_207, %swap3A_208] {strides = array<i32>} : memref<80x16xf32, #tpu.memory_space<vmem>>, vector<1x16xf32>,
    %swap3A_210 = vector.shape_cast %swap3A_209 : vector<1x16xf32> to vector<16xf32>
    %swap3A_211 = vector.shape_cast %broadcast_in_dim3A_26 : vector<16xf32> to vector<1x16xf32>
    tpu.vector_store %arg10[%swap3A_207, %swap3A_208], %swap3A_211 {strides = array<i32>} : memref<80x16xf32, #tpu.memory_space<vmem>>, vector<1x16xf32>,
    %swap3A_212 = arith.constant 31 : i32
    %swap3A_213 = arith.index_cast %swap3A_212 : i32 to index
    %swap3A_214 = arith.constant 0 : index
    %swap3A_215 = tpu.vector_load %arg10[%swap3A_213, %swap3A_214] {strides = array<i32>} : memref<80x16xf32, #tpu.memory_space<vmem>>, vector<1x16xf32>,
    %swap3A_216 = vector.shape_cast %swap3A_215 : vector<1x16xf32> to vector<16xf32>
    %swap3A_217 = vector.shape_cast %broadcast_in_dim3A_26 : vector<16xf32> to vector<1x16xf32>
    tpu.vector_store %arg10[%swap3A_213, %swap3A_214], %swap3A_217 {strides = array<i32>} : memref<80x16xf32, #tpu.memory_space<vmem>>, vector<1x16xf32>,
    %swap3A_218 = arith.constant 32 : i32
    %swap3A_219 = arith.index_cast %swap3A_218 : i32 to index
    %swap3A_220 = arith.constant 0 : index
    %swap3A_221 = tpu.vector_load %arg10[%swap3A_219, %swap3A_220] {strides = array<i32>} : memref<80x16xf32, #tpu.memory_space<vmem>>, vector<1x16xf32>,
    %swap3A_222 = vector.shape_cast %swap3A_221 : vector<1x16xf32> to vector<16xf32>
    %swap3A_223 = vector.shape_cast %broadcast_in_dim3A_26 : vector<16xf32> to vector<1x16xf32>
    tpu.vector_store %arg10[%swap3A_219, %swap3A_220], %swap3A_223 {strides = array<i32>} : memref<80x16xf32, #tpu.memory_space<vmem>>, vector<1x16xf32>,
    %swap3A_224 = arith.constant 33 : i32
    %swap3A_225 = arith.index_cast %swap3A_224 : i32 to index
    %swap3A_226 = arith.constant 0 : index
    %swap3A_227 = tpu.vector_load %arg10[%swap3A_225, %swap3A_226] {strides = array<i32>} : memref<80x16xf32, #tpu.memory_space<vmem>>, vector<1x16xf32>,
    %swap3A_228 = vector.shape_cast %swap3A_227 : vector<1x16xf32> to vector<16xf32>
    %swap3A_229 = vector.shape_cast %broadcast_in_dim3A_26 : vector<16xf32> to vector<1x16xf32>
    tpu.vector_store %arg10[%swap3A_225, %swap3A_226], %swap3A_229 {strides = array<i32>} : memref<80x16xf32, #tpu.memory_space<vmem>>, vector<1x16xf32>,
    %swap3A_230 = arith.constant 34 : i32
    %swap3A_231 = arith.index_cast %swap3A_230 : i32 to index
    %swap3A_232 = arith.constant 0 : index
    %swap3A_233 = tpu.vector_load %arg10[%swap3A_231, %swap3A_232] {strides = array<i32>} : memref<80x16xf32, #tpu.memory_space<vmem>>, vector<1x16xf32>,
    %swap3A_234 = vector.shape_cast %swap3A_233 : vector<1x16xf32> to vector<16xf32>
    %swap3A_235 = vector.shape_cast %broadcast_in_dim3A_26 : vector<16xf32> to vector<1x16xf32>
    tpu.vector_store %arg10[%swap3A_231, %swap3A_232], %swap3A_235 {strides = array<i32>} : memref<80x16xf32, #tpu.memory_space<vmem>>, vector<1x16xf32>,
    %swap3A_236 = arith.constant 35 : i32
    %swap3A_237 = arith.index_cast %swap3A_236 : i32 to index
    %swap3A_238 = arith.constant 0 : index
    %swap3A_239 = tpu.vector_load %arg10[%swap3A_237, %swap3A_238] {strides = array<i32>} : memref<80x16xf32, #tpu.memory_space<vmem>>, vector<1x16xf32>,
    %swap3A_240 = vector.shape_cast %swap3A_239 : vector<1x16xf32> to vector<16xf32>
    %swap3A_241 = vector.shape_cast %broadcast_in_dim3A_26 : vector<16xf32> to vector<1x16xf32>
    tpu.vector_store %arg10[%swap3A_237, %swap3A_238], %swap3A_241 {strides = array<i32>} : memref<80x16xf32, #tpu.memory_space<vmem>>, vector<1x16xf32>,
    %swap3A_242 = arith.constant 36 : i32
    %swap3A_243 = arith.index_cast %swap3A_242 : i32 to index
    %swap3A_244 = arith.constant 0 : index
    %swap3A_245 = tpu.vector_load %arg10[%swap3A_243, %swap3A_244] {strides = array<i32>} : memref<80x16xf32, #tpu.memory_space<vmem>>, vector<1x16xf32>,
    %swap3A_246 = vector.shape_cast %swap3A_245 : vector<1x16xf32> to vector<16xf32>
    %swap3A_247 = vector.shape_cast %broadcast_in_dim3A_26 : vector<16xf32> to vector<1x16xf32>
    tpu.vector_store %arg10[%swap3A_243, %swap3A_244], %swap3A_247 {strides = array<i32>} : memref<80x16xf32, #tpu.memory_space<vmem>>, vector<1x16xf32>,
    %swap3A_248 = arith.constant 37 : i32
    %swap3A_249 = arith.index_cast %swap3A_248 : i32 to index
    %swap3A_250 = arith.constant 0 : index
    %swap3A_251 = tpu.vector_load %arg10[%swap3A_249, %swap3A_250] {strides = array<i32>} : memref<80x16xf32, #tpu.memory_space<vmem>>, vector<1x16xf32>,
    %swap3A_252 = vector.shape_cast %swap3A_251 : vector<1x16xf32> to vector<16xf32>
    %swap3A_253 = vector.shape_cast %broadcast_in_dim3A_26 : vector<16xf32> to vector<1x16xf32>
    tpu.vector_store %arg10[%swap3A_249, %swap3A_250], %swap3A_253 {strides = array<i32>} : memref<80x16xf32, #tpu.memory_space<vmem>>, vector<1x16xf32>,
    %swap3A_254 = arith.constant 38 : i32
    %swap3A_255 = arith.index_cast %swap3A_254 : i32 to index
    %swap3A_256 = arith.constant 0 : index
    %swap3A_257 = tpu.vector_load %arg10[%swap3A_255, %swap3A_256] {strides = array<i32>} : memref<80x16xf32, #tpu.memory_space<vmem>>, vector<1x16xf32>,
    %swap3A_258 = vector.shape_cast %swap3A_257 : vector<1x16xf32> to vector<16xf32>
    %swap3A_259 = vector.shape_cast %broadcast_in_dim3A_26 : vector<16xf32> to vector<1x16xf32>
    tpu.vector_store %arg10[%swap3A_255, %swap3A_256], %swap3A_259 {strides = array<i32>} : memref<80x16xf32, #tpu.memory_space<vmem>>, vector<1x16xf32>,
    %swap3A_260 = arith.constant 39 : i32
    %swap3A_261 = arith.index_cast %swap3A_260 : i32 to index
    %swap3A_262 = arith.constant 0 : index
    %swap3A_263 = tpu.vector_load %arg10[%swap3A_261, %swap3A_262] {strides = array<i32>} : memref<80x16xf32, #tpu.memory_space<vmem>>, vector<1x16xf32>,
    %swap3A_264 = vector.shape_cast %swap3A_263 : vector<1x16xf32> to vector<16xf32>
    %swap3A_265 = vector.shape_cast %broadcast_in_dim3A_26 : vector<16xf32> to vector<1x16xf32>
    tpu.vector_store %arg10[%swap3A_261, %swap3A_262], %swap3A_265 {strides = array<i32>} : memref<80x16xf32, #tpu.memory_space<vmem>>, vector<1x16xf32>,
    %swap3A_266 = arith.constant 40 : i32
    %swap3A_267 = arith.index_cast %swap3A_266 : i32 to index
    %swap3A_268 = arith.constant 0 : index
    %swap3A_269 = tpu.vector_load %arg10[%swap3A_267, %swap3A_268] {strides = array<i32>} : memref<80x16xf32, #tpu.memory_space<vmem>>, vector<1x16xf32>,
    %swap3A_270 = vector.shape_cast %swap3A_269 : vector<1x16xf32> to vector<16xf32>
    %swap3A_271 = vector.shape_cast %broadcast_in_dim3A_26 : vector<16xf32> to vector<1x16xf32>
    tpu.vector_store %arg10[%swap3A_267, %swap3A_268], %swap3A_271 {strides = array<i32>} : memref<80x16xf32, #tpu.memory_space<vmem>>, vector<1x16xf32>,
    %swap3A_272 = arith.constant 41 : i32
    %swap3A_273 = arith.index_cast %swap3A_272 : i32 to index
    %swap3A_274 = arith.constant 0 : index
    %swap3A_275 = tpu.vector_load %arg10[%swap3A_273, %swap3A_274] {strides = array<i32>} : memref<80x16xf32, #tpu.memory_space<vmem>>, vector<1x16xf32>,
    %swap3A_276 = vector.shape_cast %swap3A_275 : vector<1x16xf32> to vector<16xf32>
    %swap3A_277 = vector.shape_cast %broadcast_in_dim3A_26 : vector<16xf32> to vector<1x16xf32>
    tpu.vector_store %arg10[%swap3A_273, %swap3A_274], %swap3A_277 {strides = array<i32>} : memref<80x16xf32, #tpu.memory_space<vmem>>, vector<1x16xf32>,
    %swap3A_278 = arith.constant 42 : i32
    %swap3A_279 = arith.index_cast %swap3A_278 : i32 to index
    %swap3A_280 = arith.constant 0 : index
    %swap3A_281 = tpu.vector_load %arg10[%swap3A_279, %swap3A_280] {strides = array<i32>} : memref<80x16xf32, #tpu.memory_space<vmem>>, vector<1x16xf32>,
    %swap3A_282 = vector.shape_cast %swap3A_281 : vector<1x16xf32> to vector<16xf32>
    %swap3A_283 = vector.shape_cast %broadcast_in_dim3A_26 : vector<16xf32> to vector<1x16xf32>
    tpu.vector_store %arg10[%swap3A_279, %swap3A_280], %swap3A_283 {strides = array<i32>} : memref<80x16xf32, #tpu.memory_space<vmem>>, vector<1x16xf32>,
    %swap3A_284 = arith.constant 43 : i32
    %swap3A_285 = arith.index_cast %swap3A_284 : i32 to index
    %swap3A_286 = arith.constant 0 : index
    %swap3A_287 = tpu.vector_load %arg10[%swap3A_285, %swap3A_286] {strides = array<i32>} : memref<80x16xf32, #tpu.memory_space<vmem>>, vector<1x16xf32>,
    %swap3A_288 = vector.shape_cast %swap3A_287 : vector<1x16xf32> to vector<16xf32>
    %swap3A_289 = vector.shape_cast %broadcast_in_dim3A_26 : vector<16xf32> to vector<1x16xf32>
    tpu.vector_store %arg10[%swap3A_285, %swap3A_286], %swap3A_289 {strides = array<i32>} : memref<80x16xf32, #tpu.memory_space<vmem>>, vector<1x16xf32>,
    %swap3A_290 = arith.constant 44 : i32
    %swap3A_291 = arith.index_cast %swap3A_290 : i32 to index
    %swap3A_292 = arith.constant 0 : index
    %swap3A_293 = tpu.vector_load %arg10[%swap3A_291, %swap3A_292] {strides = array<i32>} : memref<80x16xf32, #tpu.memory_space<vmem>>, vector<1x16xf32>,
    %swap3A_294 = vector.shape_cast %swap3A_293 : vector<1x16xf32> to vector<16xf32>
    %swap3A_295 = vector.shape_cast %broadcast_in_dim3A_26 : vector<16xf32> to vector<1x16xf32>
    tpu.vector_store %arg10[%swap3A_291, %swap3A_292], %swap3A_295 {strides = array<i32>} : memref<80x16xf32, #tpu.memory_space<vmem>>, vector<1x16xf32>,
    %swap3A_296 = arith.constant 45 : i32
    %swap3A_297 = arith.index_cast %swap3A_296 : i32 to index
    %swap3A_298 = arith.constant 0 : index
    %swap3A_299 = tpu.vector_load %arg10[%swap3A_297, %swap3A_298] {strides = array<i32>} : memref<80x16xf32, #tpu.memory_space<vmem>>, vector<1x16xf32>,
    %swap3A_300 = vector.shape_cast %swap3A_299 : vector<1x16xf32> to vector<16xf32>
    %swap3A_301 = vector.shape_cast %broadcast_in_dim3A_26 : vector<16xf32> to vector<1x16xf32>
    tpu.vector_store %arg10[%swap3A_297, %swap3A_298], %swap3A_301 {strides = array<i32>} : memref<80x16xf32, #tpu.memory_space<vmem>>, vector<1x16xf32>,
    %swap3A_302 = arith.constant 46 : i32
    %swap3A_303 = arith.index_cast %swap3A_302 : i32 to index
    %swap3A_304 = arith.constant 0 : index
    %swap3A_305 = tpu.vector_load %arg10[%swap3A_303, %swap3A_304] {strides = array<i32>} : memref<80x16xf32, #tpu.memory_space<vmem>>, vector<1x16xf32>,
    %swap3A_306 = vector.shape_cast %swap3A_305 : vector<1x16xf32> to vector<16xf32>
    %swap3A_307 = vector.shape_cast %broadcast_in_dim3A_26 : vector<16xf32> to vector<1x16xf32>
    tpu.vector_store %arg10[%swap3A_303, %swap3A_304], %swap3A_307 {strides = array<i32>} : memref<80x16xf32, #tpu.memory_space<vmem>>, vector<1x16xf32>,
    %swap3A_308 = arith.constant 47 : i32
    %swap3A_309 = arith.index_cast %swap3A_308 : i32 to index
    %swap3A_310 = arith.constant 0 : index
    %swap3A_311 = tpu.vector_load %arg10[%swap3A_309, %swap3A_310] {strides = array<i32>} : memref<80x16xf32, #tpu.memory_space<vmem>>, vector<1x16xf32>,
    %swap3A_312 = vector.shape_cast %swap3A_311 : vector<1x16xf32> to vector<16xf32>
    %swap3A_313 = vector.shape_cast %broadcast_in_dim3A_26 : vector<16xf32> to vector<1x16xf32>
    tpu.vector_store %arg10[%swap3A_309, %swap3A_310], %swap3A_313 {strides = array<i32>} : memref<80x16xf32, #tpu.memory_space<vmem>>, vector<1x16xf32>,
    %swap3A_314 = arith.constant 48 : i32
    %swap3A_315 = arith.index_cast %swap3A_314 : i32 to index
    %swap3A_316 = arith.constant 0 : index
    %swap3A_317 = tpu.vector_load %arg10[%swap3A_315, %swap3A_316] {strides = array<i32>} : memref<80x16xf32, #tpu.memory_space<vmem>>, vector<1x16xf32>,
    %swap3A_318 = vector.shape_cast %swap3A_317 : vector<1x16xf32> to vector<16xf32>
    %swap3A_319 = vector.shape_cast %broadcast_in_dim3A_26 : vector<16xf32> to vector<1x16xf32>
    tpu.vector_store %arg10[%swap3A_315, %swap3A_316], %swap3A_319 {strides = array<i32>} : memref<80x16xf32, #tpu.memory_space<vmem>>, vector<1x16xf32>,
    %swap3A_320 = arith.constant 49 : i32
    %swap3A_321 = arith.index_cast %swap3A_320 : i32 to index
    %swap3A_322 = arith.constant 0 : index
    %swap3A_323 = tpu.vector_load %arg10[%swap3A_321, %swap3A_322] {strides = array<i32>} : memref<80x16xf32, #tpu.memory_space<vmem>>, vector<1x16xf32>,
    %swap3A_324 = vector.shape_cast %swap3A_323 : vector<1x16xf32> to vector<16xf32>
    %swap3A_325 = vector.shape_cast %broadcast_in_dim3A_26 : vector<16xf32> to vector<1x16xf32>
    tpu.vector_store %arg10[%swap3A_321, %swap3A_322], %swap3A_325 {strides = array<i32>} : memref<80x16xf32, #tpu.memory_space<vmem>>, vector<1x16xf32>,
    %swap3A_326 = arith.constant 50 : i32
    %swap3A_327 = arith.index_cast %swap3A_326 : i32 to index
    %swap3A_328 = arith.constant 0 : index
    %swap3A_329 = tpu.vector_load %arg10[%swap3A_327, %swap3A_328] {strides = array<i32>} : memref<80x16xf32, #tpu.memory_space<vmem>>, vector<1x16xf32>,
    %swap3A_330 = vector.shape_cast %swap3A_329 : vector<1x16xf32> to vector<16xf32>
    %swap3A_331 = vector.shape_cast %broadcast_in_dim3A_26 : vector<16xf32> to vector<1x16xf32>
    tpu.vector_store %arg10[%swap3A_327, %swap3A_328], %swap3A_331 {strides = array<i32>} : memref<80x16xf32, #tpu.memory_space<vmem>>, vector<1x16xf32>,
    %swap3A_332 = arith.constant 51 : i32
    %swap3A_333 = arith.index_cast %swap3A_332 : i32 to index
    %swap3A_334 = arith.constant 0 : index
    %swap3A_335 = tpu.vector_load %arg10[%swap3A_333, %swap3A_334] {strides = array<i32>} : memref<80x16xf32, #tpu.memory_space<vmem>>, vector<1x16xf32>,
    %swap3A_336 = vector.shape_cast %swap3A_335 : vector<1x16xf32> to vector<16xf32>
    %swap3A_337 = vector.shape_cast %broadcast_in_dim3A_26 : vector<16xf32> to vector<1x16xf32>
    tpu.vector_store %arg10[%swap3A_333, %swap3A_334], %swap3A_337 {strides = array<i32>} : memref<80x16xf32, #tpu.memory_space<vmem>>, vector<1x16xf32>,
    %swap3A_338 = arith.constant 52 : i32
    %swap3A_339 = arith.index_cast %swap3A_338 : i32 to index
    %swap3A_340 = arith.constant 0 : index
    %swap3A_341 = tpu.vector_load %arg10[%swap3A_339, %swap3A_340] {strides = array<i32>} : memref<80x16xf32, #tpu.memory_space<vmem>>, vector<1x16xf32>,
    %swap3A_342 = vector.shape_cast %swap3A_341 : vector<1x16xf32> to vector<16xf32>
    %swap3A_343 = vector.shape_cast %broadcast_in_dim3A_26 : vector<16xf32> to vector<1x16xf32>
    tpu.vector_store %arg10[%swap3A_339, %swap3A_340], %swap3A_343 {strides = array<i32>} : memref<80x16xf32, #tpu.memory_space<vmem>>, vector<1x16xf32>,
    %swap3A_344 = arith.constant 53 : i32
    %swap3A_345 = arith.index_cast %swap3A_344 : i32 to index
    %swap3A_346 = arith.constant 0 : index
    %swap3A_347 = tpu.vector_load %arg10[%swap3A_345, %swap3A_346] {strides = array<i32>} : memref<80x16xf32, #tpu.memory_space<vmem>>, vector<1x16xf32>,
    %swap3A_348 = vector.shape_cast %swap3A_347 : vector<1x16xf32> to vector<16xf32>
    %swap3A_349 = vector.shape_cast %broadcast_in_dim3A_26 : vector<16xf32> to vector<1x16xf32>
    tpu.vector_store %arg10[%swap3A_345, %swap3A_346], %swap3A_349 {strides = array<i32>} : memref<80x16xf32, #tpu.memory_space<vmem>>, vector<1x16xf32>,
    %swap3A_350 = arith.constant 54 : i32
    %swap3A_351 = arith.index_cast %swap3A_350 : i32 to index
    %swap3A_352 = arith.constant 0 : index
    %swap3A_353 = tpu.vector_load %arg10[%swap3A_351, %swap3A_352] {strides = array<i32>} : memref<80x16xf32, #tpu.memory_space<vmem>>, vector<1x16xf32>,
    %swap3A_354 = vector.shape_cast %swap3A_353 : vector<1x16xf32> to vector<16xf32>
    %swap3A_355 = vector.shape_cast %broadcast_in_dim3A_26 : vector<16xf32> to vector<1x16xf32>
    tpu.vector_store %arg10[%swap3A_351, %swap3A_352], %swap3A_355 {strides = array<i32>} : memref<80x16xf32, #tpu.memory_space<vmem>>, vector<1x16xf32>,
    %swap3A_356 = arith.constant 55 : i32
    %swap3A_357 = arith.index_cast %swap3A_356 : i32 to index
    %swap3A_358 = arith.constant 0 : index
    %swap3A_359 = tpu.vector_load %arg10[%swap3A_357, %swap3A_358] {strides = array<i32>} : memref<80x16xf32, #tpu.memory_space<vmem>>, vector<1x16xf32>,
    %swap3A_360 = vector.shape_cast %swap3A_359 : vector<1x16xf32> to vector<16xf32>
    %swap3A_361 = vector.shape_cast %broadcast_in_dim3A_26 : vector<16xf32> to vector<1x16xf32>
    tpu.vector_store %arg10[%swap3A_357, %swap3A_358], %swap3A_361 {strides = array<i32>} : memref<80x16xf32, #tpu.memory_space<vmem>>, vector<1x16xf32>,
    %swap3A_362 = arith.constant 56 : i32
    %swap3A_363 = arith.index_cast %swap3A_362 : i32 to index
    %swap3A_364 = arith.constant 0 : index
    %swap3A_365 = tpu.vector_load %arg10[%swap3A_363, %swap3A_364] {strides = array<i32>} : memref<80x16xf32, #tpu.memory_space<vmem>>, vector<1x16xf32>,
    %swap3A_366 = vector.shape_cast %swap3A_365 : vector<1x16xf32> to vector<16xf32>
    %swap3A_367 = vector.shape_cast %broadcast_in_dim3A_26 : vector<16xf32> to vector<1x16xf32>
    tpu.vector_store %arg10[%swap3A_363, %swap3A_364], %swap3A_367 {strides = array<i32>} : memref<80x16xf32, #tpu.memory_space<vmem>>, vector<1x16xf32>,
    %swap3A_368 = arith.constant 57 : i32
    %swap3A_369 = arith.index_cast %swap3A_368 : i32 to index
    %swap3A_370 = arith.constant 0 : index
    %swap3A_371 = tpu.vector_load %arg10[%swap3A_369, %swap3A_370] {strides = array<i32>} : memref<80x16xf32, #tpu.memory_space<vmem>>, vector<1x16xf32>,
    %swap3A_372 = vector.shape_cast %swap3A_371 : vector<1x16xf32> to vector<16xf32>
    %swap3A_373 = vector.shape_cast %broadcast_in_dim3A_26 : vector<16xf32> to vector<1x16xf32>
    tpu.vector_store %arg10[%swap3A_369, %swap3A_370], %swap3A_373 {strides = array<i32>} : memref<80x16xf32, #tpu.memory_space<vmem>>, vector<1x16xf32>,
    %swap3A_374 = arith.constant 58 : i32
    %swap3A_375 = arith.index_cast %swap3A_374 : i32 to index
    %swap3A_376 = arith.constant 0 : index
    %swap3A_377 = tpu.vector_load %arg10[%swap3A_375, %swap3A_376] {strides = array<i32>} : memref<80x16xf32, #tpu.memory_space<vmem>>, vector<1x16xf32>,
    %swap3A_378 = vector.shape_cast %swap3A_377 : vector<1x16xf32> to vector<16xf32>
    %swap3A_379 = vector.shape_cast %broadcast_in_dim3A_26 : vector<16xf32> to vector<1x16xf32>
    tpu.vector_store %arg10[%swap3A_375, %swap3A_376], %swap3A_379 {strides = array<i32>} : memref<80x16xf32, #tpu.memory_space<vmem>>, vector<1x16xf32>,
    %swap3A_380 = arith.constant 59 : i32
    %swap3A_381 = arith.index_cast %swap3A_380 : i32 to index
    %swap3A_382 = arith.constant 0 : index
    %swap3A_383 = tpu.vector_load %arg10[%swap3A_381, %swap3A_382] {strides = array<i32>} : memref<80x16xf32, #tpu.memory_space<vmem>>, vector<1x16xf32>,
    %swap3A_384 = vector.shape_cast %swap3A_383 : vector<1x16xf32> to vector<16xf32>
    %swap3A_385 = vector.shape_cast %broadcast_in_dim3A_26 : vector<16xf32> to vector<1x16xf32>
    tpu.vector_store %arg10[%swap3A_381, %swap3A_382], %swap3A_385 {strides = array<i32>} : memref<80x16xf32, #tpu.memory_space<vmem>>, vector<1x16xf32>,
    %swap3A_386 = arith.constant 60 : i32
    %swap3A_387 = arith.index_cast %swap3A_386 : i32 to index
    %swap3A_388 = arith.constant 0 : index
    %swap3A_389 = tpu.vector_load %arg10[%swap3A_387, %swap3A_388] {strides = array<i32>} : memref<80x16xf32, #tpu.memory_space<vmem>>, vector<1x16xf32>,
    %swap3A_390 = vector.shape_cast %swap3A_389 : vector<1x16xf32> to vector<16xf32>
    %swap3A_391 = vector.shape_cast %broadcast_in_dim3A_26 : vector<16xf32> to vector<1x16xf32>
    tpu.vector_store %arg10[%swap3A_387, %swap3A_388], %swap3A_391 {strides = array<i32>} : memref<80x16xf32, #tpu.memory_space<vmem>>, vector<1x16xf32>,
    %swap3A_392 = arith.constant 61 : i32
    %swap3A_393 = arith.index_cast %swap3A_392 : i32 to index
    %swap3A_394 = arith.constant 0 : index
    %swap3A_395 = tpu.vector_load %arg10[%swap3A_393, %swap3A_394] {strides = array<i32>} : memref<80x16xf32, #tpu.memory_space<vmem>>, vector<1x16xf32>,
    %swap3A_396 = vector.shape_cast %swap3A_395 : vector<1x16xf32> to vector<16xf32>
    %swap3A_397 = vector.shape_cast %broadcast_in_dim3A_26 : vector<16xf32> to vector<1x16xf32>
    tpu.vector_store %arg10[%swap3A_393, %swap3A_394], %swap3A_397 {strides = array<i32>} : memref<80x16xf32, #tpu.memory_space<vmem>>, vector<1x16xf32>,
    %swap3A_398 = arith.constant 62 : i32
    %swap3A_399 = arith.index_cast %swap3A_398 : i32 to index
    %swap3A_400 = arith.constant 0 : index
    %swap3A_401 = tpu.vector_load %arg10[%swap3A_399, %swap3A_400] {strides = array<i32>} : memref<80x16xf32, #tpu.memory_space<vmem>>, vector<1x16xf32>,
    %swap3A_402 = vector.shape_cast %swap3A_401 : vector<1x16xf32> to vector<16xf32>
    %swap3A_403 = vector.shape_cast %broadcast_in_dim3A_26 : vector<16xf32> to vector<1x16xf32>
    tpu.vector_store %arg10[%swap3A_399, %swap3A_400], %swap3A_403 {strides = array<i32>} : memref<80x16xf32, #tpu.memory_space<vmem>>, vector<1x16xf32>,
    %swap3A_404 = arith.constant 63 : i32
    %swap3A_405 = arith.index_cast %swap3A_404 : i32 to index
    %swap3A_406 = arith.constant 0 : index
    %swap3A_407 = tpu.vector_load %arg10[%swap3A_405, %swap3A_406] {strides = array<i32>} : memref<80x16xf32, #tpu.memory_space<vmem>>, vector<1x16xf32>,
    %swap3A_408 = vector.shape_cast %swap3A_407 : vector<1x16xf32> to vector<16xf32>
    %swap3A_409 = vector.shape_cast %broadcast_in_dim3A_26 : vector<16xf32> to vector<1x16xf32>
    tpu.vector_store %arg10[%swap3A_405, %swap3A_406], %swap3A_409 {strides = array<i32>} : memref<80x16xf32, #tpu.memory_space<vmem>>, vector<1x16xf32>,
    %swap3A_410 = arith.constant 64 : i32
    %swap3A_411 = arith.index_cast %swap3A_410 : i32 to index
    %swap3A_412 = arith.constant 0 : index
    %swap3A_413 = tpu.vector_load %arg10[%swap3A_411, %swap3A_412] {strides = array<i32>} : memref<80x16xf32, #tpu.memory_space<vmem>>, vector<1x16xf32>,
    %swap3A_414 = vector.shape_cast %swap3A_413 : vector<1x16xf32> to vector<16xf32>
    %swap3A_415 = vector.shape_cast %broadcast_in_dim3A_26 : vector<16xf32> to vector<1x16xf32>
    tpu.vector_store %arg10[%swap3A_411, %swap3A_412], %swap3A_415 {strides = array<i32>} : memref<80x16xf32, #tpu.memory_space<vmem>>, vector<1x16xf32>,
    %swap3A_416 = arith.constant 65 : i32
    %swap3A_417 = arith.index_cast %swap3A_416 : i32 to index
    %swap3A_418 = arith.constant 0 : index
    %swap3A_419 = tpu.vector_load %arg10[%swap3A_417, %swap3A_418] {strides = array<i32>} : memref<80x16xf32, #tpu.memory_space<vmem>>, vector<1x16xf32>,
    %swap3A_420 = vector.shape_cast %swap3A_419 : vector<1x16xf32> to vector<16xf32>
    %swap3A_421 = vector.shape_cast %broadcast_in_dim3A_26 : vector<16xf32> to vector<1x16xf32>
    tpu.vector_store %arg10[%swap3A_417, %swap3A_418], %swap3A_421 {strides = array<i32>} : memref<80x16xf32, #tpu.memory_space<vmem>>, vector<1x16xf32>,
    %swap3A_422 = arith.constant 66 : i32
    %swap3A_423 = arith.index_cast %swap3A_422 : i32 to index
    %swap3A_424 = arith.constant 0 : index
    %swap3A_425 = tpu.vector_load %arg10[%swap3A_423, %swap3A_424] {strides = array<i32>} : memref<80x16xf32, #tpu.memory_space<vmem>>, vector<1x16xf32>,
    %swap3A_426 = vector.shape_cast %swap3A_425 : vector<1x16xf32> to vector<16xf32>
    %swap3A_427 = vector.shape_cast %broadcast_in_dim3A_26 : vector<16xf32> to vector<1x16xf32>
    tpu.vector_store %arg10[%swap3A_423, %swap3A_424], %swap3A_427 {strides = array<i32>} : memref<80x16xf32, #tpu.memory_space<vmem>>, vector<1x16xf32>,
    %swap3A_428 = arith.constant 67 : i32
    %swap3A_429 = arith.index_cast %swap3A_428 : i32 to index
    %swap3A_430 = arith.constant 0 : index
    %swap3A_431 = tpu.vector_load %arg10[%swap3A_429, %swap3A_430] {strides = array<i32>} : memref<80x16xf32, #tpu.memory_space<vmem>>, vector<1x16xf32>,
    %swap3A_432 = vector.shape_cast %swap3A_431 : vector<1x16xf32> to vector<16xf32>
    %swap3A_433 = vector.shape_cast %broadcast_in_dim3A_26 : vector<16xf32> to vector<1x16xf32>
    tpu.vector_store %arg10[%swap3A_429, %swap3A_430], %swap3A_433 {strides = array<i32>} : memref<80x16xf32, #tpu.memory_space<vmem>>, vector<1x16xf32>,
    %swap3A_434 = arith.constant 68 : i32
    %swap3A_435 = arith.index_cast %swap3A_434 : i32 to index
    %swap3A_436 = arith.constant 0 : index
    %swap3A_437 = tpu.vector_load %arg10[%swap3A_435, %swap3A_436] {strides = array<i32>} : memref<80x16xf32, #tpu.memory_space<vmem>>, vector<1x16xf32>,
    %swap3A_438 = vector.shape_cast %swap3A_437 : vector<1x16xf32> to vector<16xf32>
    %swap3A_439 = vector.shape_cast %broadcast_in_dim3A_26 : vector<16xf32> to vector<1x16xf32>
    tpu.vector_store %arg10[%swap3A_435, %swap3A_436], %swap3A_439 {strides = array<i32>} : memref<80x16xf32, #tpu.memory_space<vmem>>, vector<1x16xf32>,
    %swap3A_440 = arith.constant 69 : i32
    %swap3A_441 = arith.index_cast %swap3A_440 : i32 to index
    %swap3A_442 = arith.constant 0 : index
    %swap3A_443 = tpu.vector_load %arg10[%swap3A_441, %swap3A_442] {strides = array<i32>} : memref<80x16xf32, #tpu.memory_space<vmem>>, vector<1x16xf32>,
    %swap3A_444 = vector.shape_cast %swap3A_443 : vector<1x16xf32> to vector<16xf32>
    %swap3A_445 = vector.shape_cast %broadcast_in_dim3A_26 : vector<16xf32> to vector<1x16xf32>
    tpu.vector_store %arg10[%swap3A_441, %swap3A_442], %swap3A_445 {strides = array<i32>} : memref<80x16xf32, #tpu.memory_space<vmem>>, vector<1x16xf32>,
    %swap3A_446 = arith.constant 70 : i32
    %swap3A_447 = arith.index_cast %swap3A_446 : i32 to index
    %swap3A_448 = arith.constant 0 : index
    %swap3A_449 = tpu.vector_load %arg10[%swap3A_447, %swap3A_448] {strides = array<i32>} : memref<80x16xf32, #tpu.memory_space<vmem>>, vector<1x16xf32>,
    %swap3A_450 = vector.shape_cast %swap3A_449 : vector<1x16xf32> to vector<16xf32>
    %swap3A_451 = vector.shape_cast %broadcast_in_dim3A_26 : vector<16xf32> to vector<1x16xf32>
    tpu.vector_store %arg10[%swap3A_447, %swap3A_448], %swap3A_451 {strides = array<i32>} : memref<80x16xf32, #tpu.memory_space<vmem>>, vector<1x16xf32>,
    %swap3A_452 = arith.constant 71 : i32
    %swap3A_453 = arith.index_cast %swap3A_452 : i32 to index
    %swap3A_454 = arith.constant 0 : index
    %swap3A_455 = tpu.vector_load %arg10[%swap3A_453, %swap3A_454] {strides = array<i32>} : memref<80x16xf32, #tpu.memory_space<vmem>>, vector<1x16xf32>,
    %swap3A_456 = vector.shape_cast %swap3A_455 : vector<1x16xf32> to vector<16xf32>
    %swap3A_457 = vector.shape_cast %broadcast_in_dim3A_26 : vector<16xf32> to vector<1x16xf32>
    tpu.vector_store %arg10[%swap3A_453, %swap3A_454], %swap3A_457 {strides = array<i32>} : memref<80x16xf32, #tpu.memory_space<vmem>>, vector<1x16xf32>,
    %swap3A_458 = arith.constant 72 : i32
    %swap3A_459 = arith.index_cast %swap3A_458 : i32 to index
    %swap3A_460 = arith.constant 0 : index
    %swap3A_461 = tpu.vector_load %arg10[%swap3A_459, %swap3A_460] {strides = array<i32>} : memref<80x16xf32, #tpu.memory_space<vmem>>, vector<1x16xf32>,
    %swap3A_462 = vector.shape_cast %swap3A_461 : vector<1x16xf32> to vector<16xf32>
    %swap3A_463 = vector.shape_cast %broadcast_in_dim3A_26 : vector<16xf32> to vector<1x16xf32>
    tpu.vector_store %arg10[%swap3A_459, %swap3A_460], %swap3A_463 {strides = array<i32>} : memref<80x16xf32, #tpu.memory_space<vmem>>, vector<1x16xf32>,
    %swap3A_464 = arith.constant 73 : i32
    %swap3A_465 = arith.index_cast %swap3A_464 : i32 to index
    %swap3A_466 = arith.constant 0 : index
    %swap3A_467 = tpu.vector_load %arg10[%swap3A_465, %swap3A_466] {strides = array<i32>} : memref<80x16xf32, #tpu.memory_space<vmem>>, vector<1x16xf32>,
    %swap3A_468 = vector.shape_cast %swap3A_467 : vector<1x16xf32> to vector<16xf32>
    %swap3A_469 = vector.shape_cast %broadcast_in_dim3A_26 : vector<16xf32> to vector<1x16xf32>
    tpu.vector_store %arg10[%swap3A_465, %swap3A_466], %swap3A_469 {strides = array<i32>} : memref<80x16xf32, #tpu.memory_space<vmem>>, vector<1x16xf32>,
    %swap3A_470 = arith.constant 74 : i32
    %swap3A_471 = arith.index_cast %swap3A_470 : i32 to index
    %swap3A_472 = arith.constant 0 : index
    %swap3A_473 = tpu.vector_load %arg10[%swap3A_471, %swap3A_472] {strides = array<i32>} : memref<80x16xf32, #tpu.memory_space<vmem>>, vector<1x16xf32>,
    %swap3A_474 = vector.shape_cast %swap3A_473 : vector<1x16xf32> to vector<16xf32>
    %swap3A_475 = vector.shape_cast %broadcast_in_dim3A_26 : vector<16xf32> to vector<1x16xf32>
    tpu.vector_store %arg10[%swap3A_471, %swap3A_472], %swap3A_475 {strides = array<i32>} : memref<80x16xf32, #tpu.memory_space<vmem>>, vector<1x16xf32>,
    %swap3A_476 = arith.constant 75 : i32
    %swap3A_477 = arith.index_cast %swap3A_476 : i32 to index
    %swap3A_478 = arith.constant 0 : index
    %swap3A_479 = tpu.vector_load %arg10[%swap3A_477, %swap3A_478] {strides = array<i32>} : memref<80x16xf32, #tpu.memory_space<vmem>>, vector<1x16xf32>,
    %swap3A_480 = vector.shape_cast %swap3A_479 : vector<1x16xf32> to vector<16xf32>
    %swap3A_481 = vector.shape_cast %broadcast_in_dim3A_26 : vector<16xf32> to vector<1x16xf32>
    tpu.vector_store %arg10[%swap3A_477, %swap3A_478], %swap3A_481 {strides = array<i32>} : memref<80x16xf32, #tpu.memory_space<vmem>>, vector<1x16xf32>,
    %swap3A_482 = arith.constant 76 : i32
    %swap3A_483 = arith.index_cast %swap3A_482 : i32 to index
    %swap3A_484 = arith.constant 0 : index
    %swap3A_485 = tpu.vector_load %arg10[%swap3A_483, %swap3A_484] {strides = array<i32>} : memref<80x16xf32, #tpu.memory_space<vmem>>, vector<1x16xf32>,
    %swap3A_486 = vector.shape_cast %swap3A_485 : vector<1x16xf32> to vector<16xf32>
    %swap3A_487 = vector.shape_cast %broadcast_in_dim3A_26 : vector<16xf32> to vector<1x16xf32>
    tpu.vector_store %arg10[%swap3A_483, %swap3A_484], %swap3A_487 {strides = array<i32>} : memref<80x16xf32, #tpu.memory_space<vmem>>, vector<1x16xf32>,
    %swap3A_488 = arith.constant 77 : i32
    %swap3A_489 = arith.index_cast %swap3A_488 : i32 to index
    %swap3A_490 = arith.constant 0 : index
    %swap3A_491 = tpu.vector_load %arg10[%swap3A_489, %swap3A_490] {strides = array<i32>} : memref<80x16xf32, #tpu.memory_space<vmem>>, vector<1x16xf32>,
    %swap3A_492 = vector.shape_cast %swap3A_491 : vector<1x16xf32> to vector<16xf32>
    %swap3A_493 = vector.shape_cast %broadcast_in_dim3A_26 : vector<16xf32> to vector<1x16xf32>
    tpu.vector_store %arg10[%swap3A_489, %swap3A_490], %swap3A_493 {strides = array<i32>} : memref<80x16xf32, #tpu.memory_space<vmem>>, vector<1x16xf32>,
    %swap3A_494 = arith.constant 78 : i32
    %swap3A_495 = arith.index_cast %swap3A_494 : i32 to index
    %swap3A_496 = arith.constant 0 : index
    %swap3A_497 = tpu.vector_load %arg10[%swap3A_495, %swap3A_496] {strides = array<i32>} : memref<80x16xf32, #tpu.memory_space<vmem>>, vector<1x16xf32>,
    %swap3A_498 = vector.shape_cast %swap3A_497 : vector<1x16xf32> to vector<16xf32>
    %swap3A_499 = vector.shape_cast %broadcast_in_dim3A_26 : vector<16xf32> to vector<1x16xf32>
    tpu.vector_store %arg10[%swap3A_495, %swap3A_496], %swap3A_499 {strides = array<i32>} : memref<80x16xf32, #tpu.memory_space<vmem>>, vector<1x16xf32>,
    %swap3A_500 = arith.constant 79 : i32
    %swap3A_501 = arith.index_cast %swap3A_500 : i32 to index
    %swap3A_502 = arith.constant 0 : index
    %swap3A_503 = tpu.vector_load %arg10[%swap3A_501, %swap3A_502] {strides = array<i32>} : memref<80x16xf32, #tpu.memory_space<vmem>>, vector<1x16xf32>,
    %swap3A_504 = vector.shape_cast %swap3A_503 : vector<1x16xf32> to vector<16xf32>
    %swap3A_505 = vector.shape_cast %broadcast_in_dim3A_26 : vector<16xf32> to vector<1x16xf32>
    tpu.vector_store %arg10[%swap3A_501, %swap3A_502], %swap3A_505 {strides = array<i32>} : memref<80x16xf32, #tpu.memory_space<vmem>>, vector<1x16xf32>,
    %broadcast_in_dim3A_506 = arith.constant 2 : i32
    %broadcast_in_dim3A_507 = vector.broadcast %broadcast_in_dim3A_506 : i32 to vector<16xi32>
    %broadcast_in_dim3A_508 = arith.constant 1 : i32
    %broadcast_in_dim3A_509 = vector.broadcast %broadcast_in_dim3A_508 : i32 to vector<16xi32>
    %mul3A_510 = vector.broadcast %arg0 : i32 to vector<16xi32>
    %mul3A_511 = arith.muli %broadcast_in_dim3A_509, %mul3A_510 : vector<16xi32>
    %dma_wait3A = arith.constant 0 : i32
    %dma_wait3A_512 = arith.constant 0 : i32
    %dma_wait3A_513 = arith.constant 0 : i32
    %dma_wait3A_514 = tpu.memref_slice %arg3[%dma_wait3A, %arg1, %dma_wait3A_512, %dma_wait3A_513] : memref<2x16x250x80xi32, #tpu.memory_space<hbm>> -> memref<1x1x250x80xi32, #tpu.memory_space<hbm>>
    %dma_wait3A_515 = tpu.memref_squeeze %dma_wait3A_514 : memref<1x1x250x80xi32, #tpu.memory_space<hbm>> -> memref<250x80xi32, #tpu.memory_space<hbm>>
    %dma_wait3A_516 = arith.constant 0 : i32
    %dma_wait3A_517 = arith.constant 0 : i32
    %dma_wait3A_518 = tpu.memref_slice %arg3[%dma_wait3A, %arg1, %dma_wait3A_516, %dma_wait3A_517] : memref<2x16x250x80xi32, #tpu.memory_space<hbm>> -> memref<1x1x250x80xi32, #tpu.memory_space<hbm>>
    %dma_wait3A_519 = tpu.memref_squeeze %dma_wait3A_518 : memref<1x1x250x80xi32, #tpu.memory_space<hbm>> -> memref<250x80xi32, #tpu.memory_space<hbm>>
    tpu.wait_dma2 semaphore(%arg18 : memref<!tpu.dma_semaphore, #tpu.memory_space<semaphore_mem>>) src(%dma_wait3A_519 : memref<250x80xi32, #tpu.memory_space<hbm>>) dst(%arg8 : memref<250x80xi32, #tpu.memory_space<vmem>>)
    %scan3A = arith.constant 0 : i32
    %scan3A_520 = arith.constant 0 : i32
    %scan3A_521 = arith.constant 250 : i32
    %scan3A_522 = arith.addi %scan3A_520, %scan3A_521 : i32
    %scan3A_523 = arith.constant 1 : i32
    scf.for %scan3A_670 = %scan3A_520 to %scan3A_522 step %scan3A_523  : i32 {
      %get3A = arith.index_cast %scan3A_670 : i32 to index
      %get3A_671 = arith.constant 0 : index
      %get3A_672 = tpu.vector_load %arg8[%get3A, %get3A_671] {strides = array<i32>} : memref<250x80xi32, #tpu.memory_space<vmem>>, vector<1x16xi32>,
      %get3A_673 = vector.shape_cast %get3A_672 : vector<1x16xi32> to vector<16xi32>
      %mul3A_674 = arith.muli %get3A_673, %broadcast_in_dim3A_507 : vector<16xi32>
      %add3A = arith.addi %mul3A_674, %mul3A_511 : vector<16xi32>
      %swap3A_675 = arith.index_cast %scan3A_670 : i32 to index
      %swap3A_676 = arith.constant 0 : index
      %swap3A_677 = tpu.vector_load %arg8[%swap3A_675, %swap3A_676] {strides = array<i32>} : memref<250x80xi32, #tpu.memory_space<vmem>>, vector<1x16xi32>,
      %swap3A_678 = vector.shape_cast %swap3A_677 : vector<1x16xi32> to vector<16xi32>
      %swap3A_679 = vector.shape_cast %add3A : vector<16xi32> to vector<1x16xi32>
      tpu.vector_store %arg8[%swap3A_675, %swap3A_676], %swap3A_679 {strides = array<i32>} : memref<250x80xi32, #tpu.memory_space<vmem>>, vector<1x16xi32>,
      %get3A_680 = arith.index_cast %scan3A_670 : i32 to index
      %get3A_681 = arith.constant 16 : index
      %get3A_682 = tpu.vector_load %arg8[%get3A_680, %get3A_681] {strides = array<i32>} : memref<250x80xi32, #tpu.memory_space<vmem>>, vector<1x16xi32>,
      %get3A_683 = vector.shape_cast %get3A_682 : vector<1x16xi32> to vector<16xi32>
      %mul3A_684 = arith.muli %get3A_683, %broadcast_in_dim3A_507 : vector<16xi32>
      %add3A_685 = arith.addi %mul3A_684, %mul3A_511 : vector<16xi32>
      %swap3A_686 = arith.index_cast %scan3A_670 : i32 to index
      %swap3A_687 = arith.constant 16 : index
      %swap3A_688 = tpu.vector_load %arg8[%swap3A_686, %swap3A_687] {strides = array<i32>} : memref<250x80xi32, #tpu.memory_space<vmem>>, vector<1x16xi32>,
      %swap3A_689 = vector.shape_cast %swap3A_688 : vector<1x16xi32> to vector<16xi32>
      %swap3A_690 = vector.shape_cast %add3A_685 : vector<16xi32> to vector<1x16xi32>
      tpu.vector_store %arg8[%swap3A_686, %swap3A_687], %swap3A_690 {strides = array<i32>} : memref<250x80xi32, #tpu.memory_space<vmem>>, vector<1x16xi32>,
      %get3A_691 = arith.index_cast %scan3A_670 : i32 to index
      %get3A_692 = arith.constant 32 : index
      %get3A_693 = tpu.vector_load %arg8[%get3A_691, %get3A_692] {strides = array<i32>} : memref<250x80xi32, #tpu.memory_space<vmem>>, vector<1x16xi32>,
      %get3A_694 = vector.shape_cast %get3A_693 : vector<1x16xi32> to vector<16xi32>
      %mul3A_695 = arith.muli %get3A_694, %broadcast_in_dim3A_507 : vector<16xi32>
      %add3A_696 = arith.addi %mul3A_695, %mul3A_511 : vector<16xi32>
      %swap3A_697 = arith.index_cast %scan3A_670 : i32 to index
      %swap3A_698 = arith.constant 32 : index
      %swap3A_699 = tpu.vector_load %arg8[%swap3A_697, %swap3A_698] {strides = array<i32>} : memref<250x80xi32, #tpu.memory_space<vmem>>, vector<1x16xi32>,
      %swap3A_700 = vector.shape_cast %swap3A_699 : vector<1x16xi32> to vector<16xi32>
      %swap3A_701 = vector.shape_cast %add3A_696 : vector<16xi32> to vector<1x16xi32>
      tpu.vector_store %arg8[%swap3A_697, %swap3A_698], %swap3A_701 {strides = array<i32>} : memref<250x80xi32, #tpu.memory_space<vmem>>, vector<1x16xi32>,
      %get3A_702 = arith.index_cast %scan3A_670 : i32 to index
      %get3A_703 = arith.constant 48 : index
      %get3A_704 = tpu.vector_load %arg8[%get3A_702, %get3A_703] {strides = array<i32>} : memref<250x80xi32, #tpu.memory_space<vmem>>, vector<1x16xi32>,
      %get3A_705 = vector.shape_cast %get3A_704 : vector<1x16xi32> to vector<16xi32>
      %mul3A_706 = arith.muli %get3A_705, %broadcast_in_dim3A_507 : vector<16xi32>
      %add3A_707 = arith.addi %mul3A_706, %mul3A_511 : vector<16xi32>
      %swap3A_708 = arith.index_cast %scan3A_670 : i32 to index
      %swap3A_709 = arith.constant 48 : index
      %swap3A_710 = tpu.vector_load %arg8[%swap3A_708, %swap3A_709] {strides = array<i32>} : memref<250x80xi32, #tpu.memory_space<vmem>>, vector<1x16xi32>,
      %swap3A_711 = vector.shape_cast %swap3A_710 : vector<1x16xi32> to vector<16xi32>
      %swap3A_712 = vector.shape_cast %add3A_707 : vector<16xi32> to vector<1x16xi32>
      tpu.vector_store %arg8[%swap3A_708, %swap3A_709], %swap3A_712 {strides = array<i32>} : memref<250x80xi32, #tpu.memory_space<vmem>>, vector<1x16xi32>,
      %get3A_713 = arith.index_cast %scan3A_670 : i32 to index
      %get3A_714 = arith.constant 64 : index
      %get3A_715 = tpu.vector_load %arg8[%get3A_713, %get3A_714] {strides = array<i32>} : memref<250x80xi32, #tpu.memory_space<vmem>>, vector<1x16xi32>,
      %get3A_716 = vector.shape_cast %get3A_715 : vector<1x16xi32> to vector<16xi32>
      %mul3A_717 = arith.muli %get3A_716, %broadcast_in_dim3A_507 : vector<16xi32>
      %add3A_718 = arith.addi %mul3A_717, %mul3A_511 : vector<16xi32>
      %swap3A_719 = arith.index_cast %scan3A_670 : i32 to index
      %swap3A_720 = arith.constant 64 : index
      %swap3A_721 = tpu.vector_load %arg8[%swap3A_719, %swap3A_720] {strides = array<i32>} : memref<250x80xi32, #tpu.memory_space<vmem>>, vector<1x16xi32>,
      %swap3A_722 = vector.shape_cast %swap3A_721 : vector<1x16xi32> to vector<16xi32>
      %swap3A_723 = vector.shape_cast %add3A_718 : vector<16xi32> to vector<1x16xi32>
      tpu.vector_store %arg8[%swap3A_719, %swap3A_720], %swap3A_723 {strides = array<i32>} : memref<250x80xi32, #tpu.memory_space<vmem>>, vector<1x16xi32>,
    }
    %scan3A_524 = arith.constant 250 : i32
    %dma_wait3A_525 = arith.constant 1 : i32
    %dma_wait3A_526 = arith.constant 0 : i32
    %dma_wait3A_527 = arith.constant 0 : i32
    %dma_wait3A_528 = tpu.memref_slice %arg3[%dma_wait3A_525, %arg1, %dma_wait3A_526, %dma_wait3A_527] : memref<2x16x250x80xi32, #tpu.memory_space<hbm>> -> memref<1x1x250x80xi32, #tpu.memory_space<hbm>>
    %dma_wait3A_529 = tpu.memref_squeeze %dma_wait3A_528 : memref<1x1x250x80xi32, #tpu.memory_space<hbm>> -> memref<250x80xi32, #tpu.memory_space<hbm>>
    %dma_wait3A_530 = arith.constant 0 : i32
    %dma_wait3A_531 = arith.constant 0 : i32
    %dma_wait3A_532 = tpu.memref_slice %arg3[%dma_wait3A_525, %arg1, %dma_wait3A_530, %dma_wait3A_531] : memref<2x16x250x80xi32, #tpu.memory_space<hbm>> -> memref<1x1x250x80xi32, #tpu.memory_space<hbm>>
    %dma_wait3A_533 = tpu.memref_squeeze %dma_wait3A_532 : memref<1x1x250x80xi32, #tpu.memory_space<hbm>> -> memref<250x80xi32, #tpu.memory_space<hbm>>
    tpu.wait_dma2 semaphore(%arg19 : memref<!tpu.dma_semaphore, #tpu.memory_space<semaphore_mem>>) src(%dma_wait3A_533 : memref<250x80xi32, #tpu.memory_space<hbm>>) dst(%arg9 : memref<250x80xi32, #tpu.memory_space<vmem>>)
    %dma_wait3A_534 = arith.constant 0 : i32
    %dma_wait3A_535 = tpu.memref_slice %arg16[%mul3A_0, %dma_wait3A_534] : memref<10240x64xf32, #tpu.memory_space<vmem_shared>> -> memref<640x64xf32, #tpu.memory_space<vmem_shared>>
    %dma_wait3A_536 = arith.constant 0 : i32
    %dma_wait3A_537 = tpu.memref_slice %arg4[%mul3A_0, %dma_wait3A_536] : memref<10240x64xf32, #tpu.memory_space<hbm>> -> memref<640x64xf32, #tpu.memory_space<hbm>>
    tpu.wait_dma2 semaphore(%arg20 : memref<!tpu.dma_semaphore, #tpu.memory_space<semaphore_mem>>) src(%dma_wait3A_537 : memref<640x64xf32, #tpu.memory_space<hbm>>) dst(%dma_wait3A_535 : memref<640x64xf32, #tpu.memory_space<vmem_shared>>)
    %dma_wait3A_538 = arith.constant 0 : i32
    %dma_wait3A_539 = tpu.memref_slice %arg17[%mul3A_0, %dma_wait3A_538] : memref<10240x16xf32, #tpu.memory_space<vmem_shared>> -> memref<640x16xf32, #tpu.memory_space<vmem_shared>>
    %dma_wait3A_540 = arith.constant 0 : i32
    %dma_wait3A_541 = tpu.memref_slice %arg5[%mul3A_0, %dma_wait3A_540] : memref<10240x16xf32, #tpu.memory_space<hbm>> -> memref<640x16xf32, #tpu.memory_space<hbm>>
    tpu.wait_dma2 semaphore(%arg21 : memref<!tpu.dma_semaphore, #tpu.memory_space<semaphore_mem>>) src(%dma_wait3A_541 : memref<640x16xf32, #tpu.memory_space<hbm>>) dst(%dma_wait3A_539 : memref<640x16xf32, #tpu.memory_space<vmem_shared>>)
    %barrier3A = arith.constant 0 : index
    tpu.barrier barrier_id(%barrier3A)
    %dma_start3A_542 = arith.constant 0 : i32
    %dma_start3A_543 = arith.constant 0 : i32
    %dma_start3A_544 = tpu.memref_slice %arg8[%dma_start3A_542, %dma_start3A_543] : memref<250x80xi32, #tpu.memory_space<vmem>> -> memref<1x80xi32, #tpu.memory_space<vmem>>
    %dma_start3A_545 = tpu.memref_squeeze %dma_start3A_544 : memref<1x80xi32, #tpu.memory_space<vmem>> -> memref<80xi32, #tpu.memory_space<vmem>>
    %dma_start3A_546 = arith.constant 0 : i32
    %dma_start3A_547 = arith.constant 0 : i32
    %dma_start3A_548 = tpu.memref_slice %arg2[%dma_start3A_546, %dma_start3A_547] : memref<20000x64xf32, #tpu.memory_space<hbm>> -> memref<20000x64xf32, #tpu.memory_space<hbm>>
    tpu.enqueue_indirect_dma source(%dma_start3A_548 : memref<20000x64xf32, #tpu.memory_space<hbm>>) target(%arg11 : memref<80x64xf32, #tpu.memory_space<vmem>>) offsets(%dma_start3A_545 : memref<80xi32, #tpu.memory_space<vmem>>) semaphore(%arg18 : memref<!tpu.dma_semaphore, #tpu.memory_space<semaphore_mem>>)
    %dma_start3A_549 = arith.constant 1 : i32
    %dma_start3A_550 = arith.constant 0 : i32
    %dma_start3A_551 = tpu.memref_slice %arg8[%dma_start3A_549, %dma_start3A_550] : memref<250x80xi32, #tpu.memory_space<vmem>> -> memref<1x80xi32, #tpu.memory_space<vmem>>
    %dma_start3A_552 = tpu.memref_squeeze %dma_start3A_551 : memref<1x80xi32, #tpu.memory_space<vmem>> -> memref<80xi32, #tpu.memory_space<vmem>>
    %dma_start3A_553 = arith.constant 0 : i32
    %dma_start3A_554 = arith.constant 0 : i32
    %dma_start3A_555 = tpu.memref_slice %arg2[%dma_start3A_553, %dma_start3A_554] : memref<20000x64xf32, #tpu.memory_space<hbm>> -> memref<20000x64xf32, #tpu.memory_space<hbm>>
    tpu.enqueue_indirect_dma source(%dma_start3A_555 : memref<20000x64xf32, #tpu.memory_space<hbm>>) target(%arg12 : memref<80x64xf32, #tpu.memory_space<vmem>>) offsets(%dma_start3A_552 : memref<80xi32, #tpu.memory_space<vmem>>) semaphore(%arg19 : memref<!tpu.dma_semaphore, #tpu.memory_space<semaphore_mem>>)
    %dma_start3A_556 = arith.constant 2 : i32
    %dma_start3A_557 = arith.constant 0 : i32
    %dma_start3A_558 = tpu.memref_slice %arg8[%dma_start3A_556, %dma_start3A_557] : memref<250x80xi32, #tpu.memory_space<vmem>> -> memref<1x80xi32, #tpu.memory_space<vmem>>
    %dma_start3A_559 = tpu.memref_squeeze %dma_start3A_558 : memref<1x80xi32, #tpu.memory_space<vmem>> -> memref<80xi32, #tpu.memory_space<vmem>>
    %dma_start3A_560 = arith.constant 0 : i32
    %dma_start3A_561 = arith.constant 0 : i32
    %dma_start3A_562 = tpu.memref_slice %arg2[%dma_start3A_560, %dma_start3A_561] : memref<20000x64xf32, #tpu.memory_space<hbm>> -> memref<20000x64xf32, #tpu.memory_space<hbm>>
    tpu.enqueue_indirect_dma source(%dma_start3A_562 : memref<20000x64xf32, #tpu.memory_space<hbm>>) target(%arg13 : memref<80x64xf32, #tpu.memory_space<vmem>>) offsets(%dma_start3A_559 : memref<80xi32, #tpu.memory_space<vmem>>) semaphore(%arg20 : memref<!tpu.dma_semaphore, #tpu.memory_space<semaphore_mem>>)
    %dma_start3A_563 = arith.constant 3 : i32
    %dma_start3A_564 = arith.constant 0 : i32
    %dma_start3A_565 = tpu.memref_slice %arg8[%dma_start3A_563, %dma_start3A_564] : memref<250x80xi32, #tpu.memory_space<vmem>> -> memref<1x80xi32, #tpu.memory_space<vmem>>
    %dma_start3A_566 = tpu.memref_squeeze %dma_start3A_565 : memref<1x80xi32, #tpu.memory_space<vmem>> -> memref<80xi32, #tpu.memory_space<vmem>>
    %dma_start3A_567 = arith.constant 0 : i32
    %dma_start3A_568 = arith.constant 0 : i32
    %dma_start3A_569 = tpu.memref_slice %arg2[%dma_start3A_567, %dma_start3A_568] : memref<20000x64xf32, #tpu.memory_space<hbm>> -> memref<20000x64xf32, #tpu.memory_space<hbm>>
    tpu.enqueue_indirect_dma source(%dma_start3A_569 : memref<20000x64xf32, #tpu.memory_space<hbm>>) target(%arg14 : memref<80x64xf32, #tpu.memory_space<vmem>>) offsets(%dma_start3A_566 : memref<80xi32, #tpu.memory_space<vmem>>) semaphore(%arg21 : memref<!tpu.dma_semaphore, #tpu.memory_space<semaphore_mem>>)
    %dma_start3A_570 = arith.constant 4 : i32
    %dma_start3A_571 = arith.constant 0 : i32
    %dma_start3A_572 = tpu.memref_slice %arg8[%dma_start3A_570, %dma_start3A_571] : memref<250x80xi32, #tpu.memory_space<vmem>> -> memref<1x80xi32, #tpu.memory_space<vmem>>
    %dma_start3A_573 = tpu.memref_squeeze %dma_start3A_572 : memref<1x80xi32, #tpu.memory_space<vmem>> -> memref<80xi32, #tpu.memory_space<vmem>>
    %dma_start3A_574 = arith.constant 0 : i32
    %dma_start3A_575 = arith.constant 0 : i32
    %dma_start3A_576 = tpu.memref_slice %arg2[%dma_start3A_574, %dma_start3A_575] : memref<20000x64xf32, #tpu.memory_space<hbm>> -> memref<20000x64xf32, #tpu.memory_space<hbm>>
    tpu.enqueue_indirect_dma source(%dma_start3A_576 : memref<20000x64xf32, #tpu.memory_space<hbm>>) target(%arg15 : memref<80x64xf32, #tpu.memory_space<vmem>>) offsets(%dma_start3A_573 : memref<80xi32, #tpu.memory_space<vmem>>) semaphore(%arg22 : memref<!tpu.dma_semaphore, #tpu.memory_space<semaphore_mem>>)
    %scan3A_577 = arith.constant 0 : i32
    %scan3A_578 = arith.constant 0 : i32
    %scan3A_579 = arith.constant 49 : i32
    %scan3A_580 = arith.addi %scan3A_578, %scan3A_579 : i32
    %scan3A_581 = arith.constant 1 : i32
    scf.for %scan3A_670 = %scan3A_578 to %scan3A_580 step %scan3A_581  : i32 {
      %mul3A_671 = arith.constant 5 : i32
      %mul3A_672 = arith.muli %scan3A_670, %mul3A_671 : i32
      %add3A = arith.constant 0 : i32
      %add3A_673 = arith.addi %mul3A_672, %add3A : i32
      %dma_wait3A_674 = arith.constant 0 : i32
      %dma_wait3A_675 = tpu.memref_slice %arg8[%add3A_673, %dma_wait3A_674] : memref<250x80xi32, #tpu.memory_space<vmem>> -> memref<1x80xi32, #tpu.memory_space<vmem>>
      %dma_wait3A_676 = tpu.memref_squeeze %dma_wait3A_675 : memref<1x80xi32, #tpu.memory_space<vmem>> -> memref<80xi32, #tpu.memory_space<vmem>>
      %dma_wait3A_677 = arith.constant 0 : i32
      %dma_wait3A_678 = arith.constant 0 : i32
      %dma_wait3A_679 = tpu.memref_slice %arg2[%dma_wait3A_677, %dma_wait3A_678] : memref<20000x64xf32, #tpu.memory_space<hbm>> -> memref<20000x64xf32, #tpu.memory_space<hbm>>
      tpu.wait_indirect_dma semaphore(%arg18 : memref<!tpu.dma_semaphore, #tpu.memory_space<semaphore_mem>>) src(%dma_wait3A_679 : memref<20000x64xf32, #tpu.memory_space<hbm>>) dst(%arg11 : memref<80x64xf32, #tpu.memory_space<vmem>>)
      "tpu.region"() ({
        %run_scoped3A_791 = tpu.sem_alloc : memref<!tpu.dma_semaphore, #tpu.memory_space<semaphore_mem>>
        %dma_start3A_792 = arith.constant 0 : i32
        %dma_start3A_793 = tpu.memref_slice %arg9[%add3A_673, %dma_start3A_792] : memref<250x80xi32, #tpu.memory_space<vmem>> -> memref<1x80xi32, #tpu.memory_space<vmem>>
        %dma_start3A_794 = tpu.memref_squeeze %dma_start3A_793 : memref<1x80xi32, #tpu.memory_space<vmem>> -> memref<80xi32, #tpu.memory_space<vmem>>
        %dma_start3A_795 = arith.constant 0 : i32
        %dma_start3A_796 = arith.constant 0 : i32
        %dma_start3A_797 = tpu.memref_slice %arg16[%dma_start3A_795, %dma_start3A_796] : memref<10240x64xf32, #tpu.memory_space<vmem_shared>> -> memref<10240x64xf32, #tpu.memory_space<vmem_shared>>
        tpu.enqueue_indirect_dma source(%arg11 : memref<80x64xf32, #tpu.memory_space<vmem>>) target(%dma_start3A_797 : memref<10240x64xf32, #tpu.memory_space<vmem_shared>>) offsets(%dma_start3A_794 : memref<80xi32, #tpu.memory_space<vmem>>) semaphore(%run_scoped3A_791 : memref<!tpu.dma_semaphore, #tpu.memory_space<semaphore_mem>>) {add = true}
        %dma_wait3A_798 = arith.constant 0 : i32
        %dma_wait3A_799 = tpu.memref_slice %arg9[%add3A_673, %dma_wait3A_798] : memref<250x80xi32, #tpu.memory_space<vmem>> -> memref<1x80xi32, #tpu.memory_space<vmem>>
        %dma_wait3A_800 = tpu.memref_squeeze %dma_wait3A_799 : memref<1x80xi32, #tpu.memory_space<vmem>> -> memref<80xi32, #tpu.memory_space<vmem>>
        %dma_wait3A_801 = arith.constant 0 : i32
        %dma_wait3A_802 = arith.constant 0 : i32
        %dma_wait3A_803 = tpu.memref_slice %arg16[%dma_wait3A_801, %dma_wait3A_802] : memref<10240x64xf32, #tpu.memory_space<vmem_shared>> -> memref<10240x64xf32, #tpu.memory_space<vmem_shared>>
        tpu.wait_indirect_dma semaphore(%run_scoped3A_791 : memref<!tpu.dma_semaphore, #tpu.memory_space<semaphore_mem>>) src(%arg11 : memref<80x64xf32, #tpu.memory_space<vmem>>) dst(%dma_wait3A_803 : memref<10240x64xf32, #tpu.memory_space<vmem_shared>>)
        tpu.yield
      }) : () -> ()
      %lt3A = arith.constant 125 : i32
      %lt3A_680 = arith.cmpi slt, %add3A_673, %lt3A : i32
      %eq3A_681 = arith.constant 1 : i32
      %eq3A_682 = arith.cmpi eq, %arg0, %eq3A_681 : i32
      %xor3A_683 = arith.xori %lt3A_680, %eq3A_682 : i1
      %convert_element_type3A_684 = arith.extui %xor3A_683 : i1 to i32
      %cond3A_685 = arith.constant 0 : i32
      %cond3A_686 = arith.cmpi ne, %convert_element_type3A_684, %cond3A_685 : i32
      scf.if %cond3A_686 {
        "tpu.region"() ({
          %run_scoped3A_791 = tpu.sem_alloc : memref<!tpu.dma_semaphore, #tpu.memory_space<semaphore_mem>>
          %dma_start3A_792 = arith.constant 0 : i32
          %dma_start3A_793 = tpu.memref_slice %arg9[%add3A_673, %dma_start3A_792] : memref<250x80xi32, #tpu.memory_space<vmem>> -> memref<1x80xi32, #tpu.memory_space<vmem>>
          %dma_start3A_794 = tpu.memref_squeeze %dma_start3A_793 : memref<1x80xi32, #tpu.memory_space<vmem>> -> memref<80xi32, #tpu.memory_space<vmem>>
          %dma_start3A_795 = arith.constant 0 : i32
          %dma_start3A_796 = arith.constant 0 : i32
          %dma_start3A_797 = tpu.memref_slice %arg17[%dma_start3A_795, %dma_start3A_796] : memref<10240x16xf32, #tpu.memory_space<vmem_shared>> -> memref<10240x16xf32, #tpu.memory_space<vmem_shared>>
          tpu.enqueue_indirect_dma source(%arg10 : memref<80x16xf32, #tpu.memory_space<vmem>>) target(%dma_start3A_797 : memref<10240x16xf32, #tpu.memory_space<vmem_shared>>) offsets(%dma_start3A_794 : memref<80xi32, #tpu.memory_space<vmem>>) semaphore(%run_scoped3A_791 : memref<!tpu.dma_semaphore, #tpu.memory_space<semaphore_mem>>) {add = true}
          %dma_wait3A_798 = arith.constant 0 : i32
          %dma_wait3A_799 = tpu.memref_slice %arg9[%add3A_673, %dma_wait3A_798] : memref<250x80xi32, #tpu.memory_space<vmem>> -> memref<1x80xi32, #tpu.memory_space<vmem>>
          %dma_wait3A_800 = tpu.memref_squeeze %dma_wait3A_799 : memref<1x80xi32, #tpu.memory_space<vmem>> -> memref<80xi32, #tpu.memory_space<vmem>>
          %dma_wait3A_801 = arith.constant 0 : i32
          %dma_wait3A_802 = arith.constant 0 : i32
          %dma_wait3A_803 = tpu.memref_slice %arg17[%dma_wait3A_801, %dma_wait3A_802] : memref<10240x16xf32, #tpu.memory_space<vmem_shared>> -> memref<10240x16xf32, #tpu.memory_space<vmem_shared>>
          tpu.wait_indirect_dma semaphore(%run_scoped3A_791 : memref<!tpu.dma_semaphore, #tpu.memory_space<semaphore_mem>>) src(%arg10 : memref<80x16xf32, #tpu.memory_space<vmem>>) dst(%dma_wait3A_803 : memref<10240x16xf32, #tpu.memory_space<vmem_shared>>)
          tpu.yield
        }) : () -> ()
      } else {
      }
      %add3A_687 = arith.constant 5 : i32
      %add3A_688 = arith.addi %add3A_673, %add3A_687 : i32
      %dma_start3A_689 = arith.constant 0 : i32
      %dma_start3A_690 = tpu.memref_slice %arg8[%add3A_688, %dma_start3A_689] : memref<250x80xi32, #tpu.memory_space<vmem>> -> memref<1x80xi32, #tpu.memory_space<vmem>>
      %dma_start3A_691 = tpu.memref_squeeze %dma_start3A_690 : memref<1x80xi32, #tpu.memory_space<vmem>> -> memref<80xi32, #tpu.memory_space<vmem>>
      %dma_start3A_692 = arith.constant 0 : i32
      %dma_start3A_693 = arith.constant 0 : i32
      %dma_start3A_694 = tpu.memref_slice %arg2[%dma_start3A_692, %dma_start3A_693] : memref<20000x64xf32, #tpu.memory_space<hbm>> -> memref<20000x64xf32, #tpu.memory_space<hbm>>
      tpu.enqueue_indirect_dma source(%dma_start3A_694 : memref<20000x64xf32, #tpu.memory_space<hbm>>) target(%arg11 : memref<80x64xf32, #tpu.memory_space<vmem>>) offsets(%dma_start3A_691 : memref<80xi32, #tpu.memory_space<vmem>>) semaphore(%arg18 : memref<!tpu.dma_semaphore, #tpu.memory_space<semaphore_mem>>)
      %add3A_695 = arith.constant 1 : i32
      %add3A_696 = arith.addi %mul3A_672, %add3A_695 : i32
      %dma_wait3A_697 = arith.constant 0 : i32
      %dma_wait3A_698 = tpu.memref_slice %arg8[%add3A_696, %dma_wait3A_697] : memref<250x80xi32, #tpu.memory_space<vmem>> -> memref<1x80xi32, #tpu.memory_space<vmem>>
      %dma_wait3A_699 = tpu.memref_squeeze %dma_wait3A_698 : memref<1x80xi32, #tpu.memory_space<vmem>> -> memref<80xi32, #tpu.memory_space<vmem>>
      %dma_wait3A_700 = arith.constant 0 : i32
      %dma_wait3A_701 = arith.constant 0 : i32
      %dma_wait3A_702 = tpu.memref_slice %arg2[%dma_wait3A_700, %dma_wait3A_701] : memref<20000x64xf32, #tpu.memory_space<hbm>> -> memref<20000x64xf32, #tpu.memory_space<hbm>>
      tpu.wait_indirect_dma semaphore(%arg19 : memref<!tpu.dma_semaphore, #tpu.memory_space<semaphore_mem>>) src(%dma_wait3A_702 : memref<20000x64xf32, #tpu.memory_space<hbm>>) dst(%arg12 : memref<80x64xf32, #tpu.memory_space<vmem>>)
      "tpu.region"() ({
        %run_scoped3A_791 = tpu.sem_alloc : memref<!tpu.dma_semaphore, #tpu.memory_space<semaphore_mem>>
        %dma_start3A_792 = arith.constant 0 : i32
        %dma_start3A_793 = tpu.memref_slice %arg9[%add3A_696, %dma_start3A_792] : memref<250x80xi32, #tpu.memory_space<vmem>> -> memref<1x80xi32, #tpu.memory_space<vmem>>
        %dma_start3A_794 = tpu.memref_squeeze %dma_start3A_793 : memref<1x80xi32, #tpu.memory_space<vmem>> -> memref<80xi32, #tpu.memory_space<vmem>>
        %dma_start3A_795 = arith.constant 0 : i32
        %dma_start3A_796 = arith.constant 0 : i32
        %dma_start3A_797 = tpu.memref_slice %arg16[%dma_start3A_795, %dma_start3A_796] : memref<10240x64xf32, #tpu.memory_space<vmem_shared>> -> memref<10240x64xf32, #tpu.memory_space<vmem_shared>>
        tpu.enqueue_indirect_dma source(%arg12 : memref<80x64xf32, #tpu.memory_space<vmem>>) target(%dma_start3A_797 : memref<10240x64xf32, #tpu.memory_space<vmem_shared>>) offsets(%dma_start3A_794 : memref<80xi32, #tpu.memory_space<vmem>>) semaphore(%run_scoped3A_791 : memref<!tpu.dma_semaphore, #tpu.memory_space<semaphore_mem>>) {add = true}
        %dma_wait3A_798 = arith.constant 0 : i32
        %dma_wait3A_799 = tpu.memref_slice %arg9[%add3A_696, %dma_wait3A_798] : memref<250x80xi32, #tpu.memory_space<vmem>> -> memref<1x80xi32, #tpu.memory_space<vmem>>
        %dma_wait3A_800 = tpu.memref_squeeze %dma_wait3A_799 : memref<1x80xi32, #tpu.memory_space<vmem>> -> memref<80xi32, #tpu.memory_space<vmem>>
        %dma_wait3A_801 = arith.constant 0 : i32
        %dma_wait3A_802 = arith.constant 0 : i32
        %dma_wait3A_803 = tpu.memref_slice %arg16[%dma_wait3A_801, %dma_wait3A_802] : memref<10240x64xf32, #tpu.memory_space<vmem_shared>> -> memref<10240x64xf32, #tpu.memory_space<vmem_shared>>
        tpu.wait_indirect_dma semaphore(%run_scoped3A_791 : memref<!tpu.dma_semaphore, #tpu.memory_space<semaphore_mem>>) src(%arg12 : memref<80x64xf32, #tpu.memory_space<vmem>>) dst(%dma_wait3A_803 : memref<10240x64xf32, #tpu.memory_space<vmem_shared>>)
        tpu.yield
      }) : () -> ()
      %lt3A_703 = arith.constant 125 : i32
      %lt3A_704 = arith.cmpi slt, %add3A_696, %lt3A_703 : i32
      %eq3A_705 = arith.constant 1 : i32
      %eq3A_706 = arith.cmpi eq, %arg0, %eq3A_705 : i32
      %xor3A_707 = arith.xori %lt3A_704, %eq3A_706 : i1
      %convert_element_type3A_708 = arith.extui %xor3A_707 : i1 to i32
      %cond3A_709 = arith.constant 0 : i32
      %cond3A_710 = arith.cmpi ne, %convert_element_type3A_708, %cond3A_709 : i32
      scf.if %cond3A_710 {
        "tpu.region"() ({
          %run_scoped3A_791 = tpu.sem_alloc : memref<!tpu.dma_semaphore, #tpu.memory_space<semaphore_mem>>
          %dma_start3A_792 = arith.constant 0 : i32
          %dma_start3A_793 = tpu.memref_slice %arg9[%add3A_696, %dma_start3A_792] : memref<250x80xi32, #tpu.memory_space<vmem>> -> memref<1x80xi32, #tpu.memory_space<vmem>>
          %dma_start3A_794 = tpu.memref_squeeze %dma_start3A_793 : memref<1x80xi32, #tpu.memory_space<vmem>> -> memref<80xi32, #tpu.memory_space<vmem>>
          %dma_start3A_795 = arith.constant 0 : i32
          %dma_start3A_796 = arith.constant 0 : i32
          %dma_start3A_797 = tpu.memref_slice %arg17[%dma_start3A_795, %dma_start3A_796] : memref<10240x16xf32, #tpu.memory_space<vmem_shared>> -> memref<10240x16xf32, #tpu.memory_space<vmem_shared>>
          tpu.enqueue_indirect_dma source(%arg10 : memref<80x16xf32, #tpu.memory_space<vmem>>) target(%dma_start3A_797 : memref<10240x16xf32, #tpu.memory_space<vmem_shared>>) offsets(%dma_start3A_794 : memref<80xi32, #tpu.memory_space<vmem>>) semaphore(%run_scoped3A_791 : memref<!tpu.dma_semaphore, #tpu.memory_space<semaphore_mem>>) {add = true}
          %dma_wait3A_798 = arith.constant 0 : i32
          %dma_wait3A_799 = tpu.memref_slice %arg9[%add3A_696, %dma_wait3A_798] : memref<250x80xi32, #tpu.memory_space<vmem>> -> memref<1x80xi32, #tpu.memory_space<vmem>>
          %dma_wait3A_800 = tpu.memref_squeeze %dma_wait3A_799 : memref<1x80xi32, #tpu.memory_space<vmem>> -> memref<80xi32, #tpu.memory_space<vmem>>
          %dma_wait3A_801 = arith.constant 0 : i32
          %dma_wait3A_802 = arith.constant 0 : i32
          %dma_wait3A_803 = tpu.memref_slice %arg17[%dma_wait3A_801, %dma_wait3A_802] : memref<10240x16xf32, #tpu.memory_space<vmem_shared>> -> memref<10240x16xf32, #tpu.memory_space<vmem_shared>>
          tpu.wait_indirect_dma semaphore(%run_scoped3A_791 : memref<!tpu.dma_semaphore, #tpu.memory_space<semaphore_mem>>) src(%arg10 : memref<80x16xf32, #tpu.memory_space<vmem>>) dst(%dma_wait3A_803 : memref<10240x16xf32, #tpu.memory_space<vmem_shared>>)
          tpu.yield
        }) : () -> ()
      } else {
      }
      %add3A_711 = arith.constant 5 : i32
      %add3A_712 = arith.addi %add3A_696, %add3A_711 : i32
      %dma_start3A_713 = arith.constant 0 : i32
      %dma_start3A_714 = tpu.memref_slice %arg8[%add3A_712, %dma_start3A_713] : memref<250x80xi32, #tpu.memory_space<vmem>> -> memref<1x80xi32, #tpu.memory_space<vmem>>
      %dma_start3A_715 = tpu.memref_squeeze %dma_start3A_714 : memref<1x80xi32, #tpu.memory_space<vmem>> -> memref<80xi32, #tpu.memory_space<vmem>>
      %dma_start3A_716 = arith.constant 0 : i32
      %dma_start3A_717 = arith.constant 0 : i32
      %dma_start3A_718 = tpu.memref_slice %arg2[%dma_start3A_716, %dma_start3A_717] : memref<20000x64xf32, #tpu.memory_space<hbm>> -> memref<20000x64xf32, #tpu.memory_space<hbm>>
      tpu.enqueue_indirect_dma source(%dma_start3A_718 : memref<20000x64xf32, #tpu.memory_space<hbm>>) target(%arg12 : memref<80x64xf32, #tpu.memory_space<vmem>>) offsets(%dma_start3A_715 : memref<80xi32, #tpu.memory_space<vmem>>) semaphore(%arg19 : memref<!tpu.dma_semaphore, #tpu.memory_space<semaphore_mem>>)
      %add3A_719 = arith.constant 2 : i32
      %add3A_720 = arith.addi %mul3A_672, %add3A_719 : i32
      %dma_wait3A_721 = arith.constant 0 : i32
      %dma_wait3A_722 = tpu.memref_slice %arg8[%add3A_720, %dma_wait3A_721] : memref<250x80xi32, #tpu.memory_space<vmem>> -> memref<1x80xi32, #tpu.memory_space<vmem>>
      %dma_wait3A_723 = tpu.memref_squeeze %dma_wait3A_722 : memref<1x80xi32, #tpu.memory_space<vmem>> -> memref<80xi32, #tpu.memory_space<vmem>>
      %dma_wait3A_724 = arith.constant 0 : i32
      %dma_wait3A_725 = arith.constant 0 : i32
      %dma_wait3A_726 = tpu.memref_slice %arg2[%dma_wait3A_724, %dma_wait3A_725] : memref<20000x64xf32, #tpu.memory_space<hbm>> -> memref<20000x64xf32, #tpu.memory_space<hbm>>
      tpu.wait_indirect_dma semaphore(%arg20 : memref<!tpu.dma_semaphore, #tpu.memory_space<semaphore_mem>>) src(%dma_wait3A_726 : memref<20000x64xf32, #tpu.memory_space<hbm>>) dst(%arg13 : memref<80x64xf32, #tpu.memory_space<vmem>>)
      "tpu.region"() ({
        %run_scoped3A_791 = tpu.sem_alloc : memref<!tpu.dma_semaphore, #tpu.memory_space<semaphore_mem>>
        %dma_start3A_792 = arith.constant 0 : i32
        %dma_start3A_793 = tpu.memref_slice %arg9[%add3A_720, %dma_start3A_792] : memref<250x80xi32, #tpu.memory_space<vmem>> -> memref<1x80xi32, #tpu.memory_space<vmem>>
        %dma_start3A_794 = tpu.memref_squeeze %dma_start3A_793 : memref<1x80xi32, #tpu.memory_space<vmem>> -> memref<80xi32, #tpu.memory_space<vmem>>
        %dma_start3A_795 = arith.constant 0 : i32
        %dma_start3A_796 = arith.constant 0 : i32
        %dma_start3A_797 = tpu.memref_slice %arg16[%dma_start3A_795, %dma_start3A_796] : memref<10240x64xf32, #tpu.memory_space<vmem_shared>> -> memref<10240x64xf32, #tpu.memory_space<vmem_shared>>
        tpu.enqueue_indirect_dma source(%arg13 : memref<80x64xf32, #tpu.memory_space<vmem>>) target(%dma_start3A_797 : memref<10240x64xf32, #tpu.memory_space<vmem_shared>>) offsets(%dma_start3A_794 : memref<80xi32, #tpu.memory_space<vmem>>) semaphore(%run_scoped3A_791 : memref<!tpu.dma_semaphore, #tpu.memory_space<semaphore_mem>>) {add = true}
        %dma_wait3A_798 = arith.constant 0 : i32
        %dma_wait3A_799 = tpu.memref_slice %arg9[%add3A_720, %dma_wait3A_798] : memref<250x80xi32, #tpu.memory_space<vmem>> -> memref<1x80xi32, #tpu.memory_space<vmem>>
        %dma_wait3A_800 = tpu.memref_squeeze %dma_wait3A_799 : memref<1x80xi32, #tpu.memory_space<vmem>> -> memref<80xi32, #tpu.memory_space<vmem>>
        %dma_wait3A_801 = arith.constant 0 : i32
        %dma_wait3A_802 = arith.constant 0 : i32
        %dma_wait3A_803 = tpu.memref_slice %arg16[%dma_wait3A_801, %dma_wait3A_802] : memref<10240x64xf32, #tpu.memory_space<vmem_shared>> -> memref<10240x64xf32, #tpu.memory_space<vmem_shared>>
        tpu.wait_indirect_dma semaphore(%run_scoped3A_791 : memref<!tpu.dma_semaphore, #tpu.memory_space<semaphore_mem>>) src(%arg13 : memref<80x64xf32, #tpu.memory_space<vmem>>) dst(%dma_wait3A_803 : memref<10240x64xf32, #tpu.memory_space<vmem_shared>>)
        tpu.yield
      }) : () -> ()
      %lt3A_727 = arith.constant 125 : i32
      %lt3A_728 = arith.cmpi slt, %add3A_720, %lt3A_727 : i32
      %eq3A_729 = arith.constant 1 : i32
      %eq3A_730 = arith.cmpi eq, %arg0, %eq3A_729 : i32
      %xor3A_731 = arith.xori %lt3A_728, %eq3A_730 : i1
      %convert_element_type3A_732 = arith.extui %xor3A_731 : i1 to i32
      %cond3A_733 = arith.constant 0 : i32
      %cond3A_734 = arith.cmpi ne, %convert_element_type3A_732, %cond3A_733 : i32
      scf.if %cond3A_734 {
        "tpu.region"() ({
          %run_scoped3A_791 = tpu.sem_alloc : memref<!tpu.dma_semaphore, #tpu.memory_space<semaphore_mem>>
          %dma_start3A_792 = arith.constant 0 : i32
          %dma_start3A_793 = tpu.memref_slice %arg9[%add3A_720, %dma_start3A_792] : memref<250x80xi32, #tpu.memory_space<vmem>> -> memref<1x80xi32, #tpu.memory_space<vmem>>
          %dma_start3A_794 = tpu.memref_squeeze %dma_start3A_793 : memref<1x80xi32, #tpu.memory_space<vmem>> -> memref<80xi32, #tpu.memory_space<vmem>>
          %dma_start3A_795 = arith.constant 0 : i32
          %dma_start3A_796 = arith.constant 0 : i32
          %dma_start3A_797 = tpu.memref_slice %arg17[%dma_start3A_795, %dma_start3A_796] : memref<10240x16xf32, #tpu.memory_space<vmem_shared>> -> memref<10240x16xf32, #tpu.memory_space<vmem_shared>>
          tpu.enqueue_indirect_dma source(%arg10 : memref<80x16xf32, #tpu.memory_space<vmem>>) target(%dma_start3A_797 : memref<10240x16xf32, #tpu.memory_space<vmem_shared>>) offsets(%dma_start3A_794 : memref<80xi32, #tpu.memory_space<vmem>>) semaphore(%run_scoped3A_791 : memref<!tpu.dma_semaphore, #tpu.memory_space<semaphore_mem>>) {add = true}
          %dma_wait3A_798 = arith.constant 0 : i32
          %dma_wait3A_799 = tpu.memref_slice %arg9[%add3A_720, %dma_wait3A_798] : memref<250x80xi32, #tpu.memory_space<vmem>> -> memref<1x80xi32, #tpu.memory_space<vmem>>
          %dma_wait3A_800 = tpu.memref_squeeze %dma_wait3A_799 : memref<1x80xi32, #tpu.memory_space<vmem>> -> memref<80xi32, #tpu.memory_space<vmem>>
          %dma_wait3A_801 = arith.constant 0 : i32
          %dma_wait3A_802 = arith.constant 0 : i32
          %dma_wait3A_803 = tpu.memref_slice %arg17[%dma_wait3A_801, %dma_wait3A_802] : memref<10240x16xf32, #tpu.memory_space<vmem_shared>> -> memref<10240x16xf32, #tpu.memory_space<vmem_shared>>
          tpu.wait_indirect_dma semaphore(%run_scoped3A_791 : memref<!tpu.dma_semaphore, #tpu.memory_space<semaphore_mem>>) src(%arg10 : memref<80x16xf32, #tpu.memory_space<vmem>>) dst(%dma_wait3A_803 : memref<10240x16xf32, #tpu.memory_space<vmem_shared>>)
          tpu.yield
        }) : () -> ()
      } else {
      }
      %add3A_735 = arith.constant 5 : i32
      %add3A_736 = arith.addi %add3A_720, %add3A_735 : i32
      %dma_start3A_737 = arith.constant 0 : i32
      %dma_start3A_738 = tpu.memref_slice %arg8[%add3A_736, %dma_start3A_737] : memref<250x80xi32, #tpu.memory_space<vmem>> -> memref<1x80xi32, #tpu.memory_space<vmem>>
      %dma_start3A_739 = tpu.memref_squeeze %dma_start3A_738 : memref<1x80xi32, #tpu.memory_space<vmem>> -> memref<80xi32, #tpu.memory_space<vmem>>
      %dma_start3A_740 = arith.constant 0 : i32
      %dma_start3A_741 = arith.constant 0 : i32
      %dma_start3A_742 = tpu.memref_slice %arg2[%dma_start3A_740, %dma_start3A_741] : memref<20000x64xf32, #tpu.memory_space<hbm>> -> memref<20000x64xf32, #tpu.memory_space<hbm>>
      tpu.enqueue_indirect_dma source(%dma_start3A_742 : memref<20000x64xf32, #tpu.memory_space<hbm>>) target(%arg13 : memref<80x64xf32, #tpu.memory_space<vmem>>) offsets(%dma_start3A_739 : memref<80xi32, #tpu.memory_space<vmem>>) semaphore(%arg20 : memref<!tpu.dma_semaphore, #tpu.memory_space<semaphore_mem>>)
      %add3A_743 = arith.constant 3 : i32
      %add3A_744 = arith.addi %mul3A_672, %add3A_743 : i32
      %dma_wait3A_745 = arith.constant 0 : i32
      %dma_wait3A_746 = tpu.memref_slice %arg8[%add3A_744, %dma_wait3A_745] : memref<250x80xi32, #tpu.memory_space<vmem>> -> memref<1x80xi32, #tpu.memory_space<vmem>>
      %dma_wait3A_747 = tpu.memref_squeeze %dma_wait3A_746 : memref<1x80xi32, #tpu.memory_space<vmem>> -> memref<80xi32, #tpu.memory_space<vmem>>
      %dma_wait3A_748 = arith.constant 0 : i32
      %dma_wait3A_749 = arith.constant 0 : i32
      %dma_wait3A_750 = tpu.memref_slice %arg2[%dma_wait3A_748, %dma_wait3A_749] : memref<20000x64xf32, #tpu.memory_space<hbm>> -> memref<20000x64xf32, #tpu.memory_space<hbm>>
      tpu.wait_indirect_dma semaphore(%arg21 : memref<!tpu.dma_semaphore, #tpu.memory_space<semaphore_mem>>) src(%dma_wait3A_750 : memref<20000x64xf32, #tpu.memory_space<hbm>>) dst(%arg14 : memref<80x64xf32, #tpu.memory_space<vmem>>)
      "tpu.region"() ({
        %run_scoped3A_791 = tpu.sem_alloc : memref<!tpu.dma_semaphore, #tpu.memory_space<semaphore_mem>>
        %dma_start3A_792 = arith.constant 0 : i32
        %dma_start3A_793 = tpu.memref_slice %arg9[%add3A_744, %dma_start3A_792] : memref<250x80xi32, #tpu.memory_space<vmem>> -> memref<1x80xi32, #tpu.memory_space<vmem>>
        %dma_start3A_794 = tpu.memref_squeeze %dma_start3A_793 : memref<1x80xi32, #tpu.memory_space<vmem>> -> memref<80xi32, #tpu.memory_space<vmem>>
        %dma_start3A_795 = arith.constant 0 : i32
        %dma_start3A_796 = arith.constant 0 : i32
        %dma_start3A_797 = tpu.memref_slice %arg16[%dma_start3A_795, %dma_start3A_796] : memref<10240x64xf32, #tpu.memory_space<vmem_shared>> -> memref<10240x64xf32, #tpu.memory_space<vmem_shared>>
        tpu.enqueue_indirect_dma source(%arg14 : memref<80x64xf32, #tpu.memory_space<vmem>>) target(%dma_start3A_797 : memref<10240x64xf32, #tpu.memory_space<vmem_shared>>) offsets(%dma_start3A_794 : memref<80xi32, #tpu.memory_space<vmem>>) semaphore(%run_scoped3A_791 : memref<!tpu.dma_semaphore, #tpu.memory_space<semaphore_mem>>) {add = true}
        %dma_wait3A_798 = arith.constant 0 : i32
        %dma_wait3A_799 = tpu.memref_slice %arg9[%add3A_744, %dma_wait3A_798] : memref<250x80xi32, #tpu.memory_space<vmem>> -> memref<1x80xi32, #tpu.memory_space<vmem>>
        %dma_wait3A_800 = tpu.memref_squeeze %dma_wait3A_799 : memref<1x80xi32, #tpu.memory_space<vmem>> -> memref<80xi32, #tpu.memory_space<vmem>>
        %dma_wait3A_801 = arith.constant 0 : i32
        %dma_wait3A_802 = arith.constant 0 : i32
        %dma_wait3A_803 = tpu.memref_slice %arg16[%dma_wait3A_801, %dma_wait3A_802] : memref<10240x64xf32, #tpu.memory_space<vmem_shared>> -> memref<10240x64xf32, #tpu.memory_space<vmem_shared>>
        tpu.wait_indirect_dma semaphore(%run_scoped3A_791 : memref<!tpu.dma_semaphore, #tpu.memory_space<semaphore_mem>>) src(%arg14 : memref<80x64xf32, #tpu.memory_space<vmem>>) dst(%dma_wait3A_803 : memref<10240x64xf32, #tpu.memory_space<vmem_shared>>)
        tpu.yield
      }) : () -> ()
      %lt3A_751 = arith.constant 125 : i32
      %lt3A_752 = arith.cmpi slt, %add3A_744, %lt3A_751 : i32
      %eq3A_753 = arith.constant 1 : i32
      %eq3A_754 = arith.cmpi eq, %arg0, %eq3A_753 : i32
      %xor3A_755 = arith.xori %lt3A_752, %eq3A_754 : i1
      %convert_element_type3A_756 = arith.extui %xor3A_755 : i1 to i32
      %cond3A_757 = arith.constant 0 : i32
      %cond3A_758 = arith.cmpi ne, %convert_element_type3A_756, %cond3A_757 : i32
      scf.if %cond3A_758 {
        "tpu.region"() ({
          %run_scoped3A_791 = tpu.sem_alloc : memref<!tpu.dma_semaphore, #tpu.memory_space<semaphore_mem>>
          %dma_start3A_792 = arith.constant 0 : i32
          %dma_start3A_793 = tpu.memref_slice %arg9[%add3A_744, %dma_start3A_792] : memref<250x80xi32, #tpu.memory_space<vmem>> -> memref<1x80xi32, #tpu.memory_space<vmem>>
          %dma_start3A_794 = tpu.memref_squeeze %dma_start3A_793 : memref<1x80xi32, #tpu.memory_space<vmem>> -> memref<80xi32, #tpu.memory_space<vmem>>
          %dma_start3A_795 = arith.constant 0 : i32
          %dma_start3A_796 = arith.constant 0 : i32
          %dma_start3A_797 = tpu.memref_slice %arg17[%dma_start3A_795, %dma_start3A_796] : memref<10240x16xf32, #tpu.memory_space<vmem_shared>> -> memref<10240x16xf32, #tpu.memory_space<vmem_shared>>
          tpu.enqueue_indirect_dma source(%arg10 : memref<80x16xf32, #tpu.memory_space<vmem>>) target(%dma_start3A_797 : memref<10240x16xf32, #tpu.memory_space<vmem_shared>>) offsets(%dma_start3A_794 : memref<80xi32, #tpu.memory_space<vmem>>) semaphore(%run_scoped3A_791 : memref<!tpu.dma_semaphore, #tpu.memory_space<semaphore_mem>>) {add = true}
          %dma_wait3A_798 = arith.constant 0 : i32
          %dma_wait3A_799 = tpu.memref_slice %arg9[%add3A_744, %dma_wait3A_798] : memref<250x80xi32, #tpu.memory_space<vmem>> -> memref<1x80xi32, #tpu.memory_space<vmem>>
          %dma_wait3A_800 = tpu.memref_squeeze %dma_wait3A_799 : memref<1x80xi32, #tpu.memory_space<vmem>> -> memref<80xi32, #tpu.memory_space<vmem>>
          %dma_wait3A_801 = arith.constant 0 : i32
          %dma_wait3A_802 = arith.constant 0 : i32
          %dma_wait3A_803 = tpu.memref_slice %arg17[%dma_wait3A_801, %dma_wait3A_802] : memref<10240x16xf32, #tpu.memory_space<vmem_shared>> -> memref<10240x16xf32, #tpu.memory_space<vmem_shared>>
          tpu.wait_indirect_dma semaphore(%run_scoped3A_791 : memref<!tpu.dma_semaphore, #tpu.memory_space<semaphore_mem>>) src(%arg10 : memref<80x16xf32, #tpu.memory_space<vmem>>) dst(%dma_wait3A_803 : memref<10240x16xf32, #tpu.memory_space<vmem_shared>>)
          tpu.yield
        }) : () -> ()
      } else {
      }
      %add3A_759 = arith.constant 5 : i32
      %add3A_760 = arith.addi %add3A_744, %add3A_759 : i32
      %dma_start3A_761 = arith.constant 0 : i32
      %dma_start3A_762 = tpu.memref_slice %arg8[%add3A_760, %dma_start3A_761] : memref<250x80xi32, #tpu.memory_space<vmem>> -> memref<1x80xi32, #tpu.memory_space<vmem>>
      %dma_start3A_763 = tpu.memref_squeeze %dma_start3A_762 : memref<1x80xi32, #tpu.memory_space<vmem>> -> memref<80xi32, #tpu.memory_space<vmem>>
      %dma_start3A_764 = arith.constant 0 : i32
      %dma_start3A_765 = arith.constant 0 : i32
      %dma_start3A_766 = tpu.memref_slice %arg2[%dma_start3A_764, %dma_start3A_765] : memref<20000x64xf32, #tpu.memory_space<hbm>> -> memref<20000x64xf32, #tpu.memory_space<hbm>>
      tpu.enqueue_indirect_dma source(%dma_start3A_766 : memref<20000x64xf32, #tpu.memory_space<hbm>>) target(%arg14 : memref<80x64xf32, #tpu.memory_space<vmem>>) offsets(%dma_start3A_763 : memref<80xi32, #tpu.memory_space<vmem>>) semaphore(%arg21 : memref<!tpu.dma_semaphore, #tpu.memory_space<semaphore_mem>>)
      %add3A_767 = arith.constant 4 : i32
      %add3A_768 = arith.addi %mul3A_672, %add3A_767 : i32
      %dma_wait3A_769 = arith.constant 0 : i32
      %dma_wait3A_770 = tpu.memref_slice %arg8[%add3A_768, %dma_wait3A_769] : memref<250x80xi32, #tpu.memory_space<vmem>> -> memref<1x80xi32, #tpu.memory_space<vmem>>
      %dma_wait3A_771 = tpu.memref_squeeze %dma_wait3A_770 : memref<1x80xi32, #tpu.memory_space<vmem>> -> memref<80xi32, #tpu.memory_space<vmem>>
      %dma_wait3A_772 = arith.constant 0 : i32
      %dma_wait3A_773 = arith.constant 0 : i32
      %dma_wait3A_774 = tpu.memref_slice %arg2[%dma_wait3A_772, %dma_wait3A_773] : memref<20000x64xf32, #tpu.memory_space<hbm>> -> memref<20000x64xf32, #tpu.memory_space<hbm>>
      tpu.wait_indirect_dma semaphore(%arg22 : memref<!tpu.dma_semaphore, #tpu.memory_space<semaphore_mem>>) src(%dma_wait3A_774 : memref<20000x64xf32, #tpu.memory_space<hbm>>) dst(%arg15 : memref<80x64xf32, #tpu.memory_space<vmem>>)
      "tpu.region"() ({
        %run_scoped3A_791 = tpu.sem_alloc : memref<!tpu.dma_semaphore, #tpu.memory_space<semaphore_mem>>
        %dma_start3A_792 = arith.constant 0 : i32
        %dma_start3A_793 = tpu.memref_slice %arg9[%add3A_768, %dma_start3A_792] : memref<250x80xi32, #tpu.memory_space<vmem>> -> memref<1x80xi32, #tpu.memory_space<vmem>>
        %dma_start3A_794 = tpu.memref_squeeze %dma_start3A_793 : memref<1x80xi32, #tpu.memory_space<vmem>> -> memref<80xi32, #tpu.memory_space<vmem>>
        %dma_start3A_795 = arith.constant 0 : i32
        %dma_start3A_796 = arith.constant 0 : i32
        %dma_start3A_797 = tpu.memref_slice %arg16[%dma_start3A_795, %dma_start3A_796] : memref<10240x64xf32, #tpu.memory_space<vmem_shared>> -> memref<10240x64xf32, #tpu.memory_space<vmem_shared>>
        tpu.enqueue_indirect_dma source(%arg15 : memref<80x64xf32, #tpu.memory_space<vmem>>) target(%dma_start3A_797 : memref<10240x64xf32, #tpu.memory_space<vmem_shared>>) offsets(%dma_start3A_794 : memref<80xi32, #tpu.memory_space<vmem>>) semaphore(%run_scoped3A_791 : memref<!tpu.dma_semaphore, #tpu.memory_space<semaphore_mem>>) {add = true}
        %dma_wait3A_798 = arith.constant 0 : i32
        %dma_wait3A_799 = tpu.memref_slice %arg9[%add3A_768, %dma_wait3A_798] : memref<250x80xi32, #tpu.memory_space<vmem>> -> memref<1x80xi32, #tpu.memory_space<vmem>>
        %dma_wait3A_800 = tpu.memref_squeeze %dma_wait3A_799 : memref<1x80xi32, #tpu.memory_space<vmem>> -> memref<80xi32, #tpu.memory_space<vmem>>
        %dma_wait3A_801 = arith.constant 0 : i32
        %dma_wait3A_802 = arith.constant 0 : i32
        %dma_wait3A_803 = tpu.memref_slice %arg16[%dma_wait3A_801, %dma_wait3A_802] : memref<10240x64xf32, #tpu.memory_space<vmem_shared>> -> memref<10240x64xf32, #tpu.memory_space<vmem_shared>>
        tpu.wait_indirect_dma semaphore(%run_scoped3A_791 : memref<!tpu.dma_semaphore, #tpu.memory_space<semaphore_mem>>) src(%arg15 : memref<80x64xf32, #tpu.memory_space<vmem>>) dst(%dma_wait3A_803 : memref<10240x64xf32, #tpu.memory_space<vmem_shared>>)
        tpu.yield
      }) : () -> ()
      %lt3A_775 = arith.constant 125 : i32
      %lt3A_776 = arith.cmpi slt, %add3A_768, %lt3A_775 : i32
      %eq3A_777 = arith.constant 1 : i32
      %eq3A_778 = arith.cmpi eq, %arg0, %eq3A_777 : i32
      %xor3A_779 = arith.xori %lt3A_776, %eq3A_778 : i1
      %convert_element_type3A_780 = arith.extui %xor3A_779 : i1 to i32
      %cond3A_781 = arith.constant 0 : i32
      %cond3A_782 = arith.cmpi ne, %convert_element_type3A_780, %cond3A_781 : i32
      scf.if %cond3A_782 {
        "tpu.region"() ({
          %run_scoped3A_791 = tpu.sem_alloc : memref<!tpu.dma_semaphore, #tpu.memory_space<semaphore_mem>>
          %dma_start3A_792 = arith.constant 0 : i32
          %dma_start3A_793 = tpu.memref_slice %arg9[%add3A_768, %dma_start3A_792] : memref<250x80xi32, #tpu.memory_space<vmem>> -> memref<1x80xi32, #tpu.memory_space<vmem>>
          %dma_start3A_794 = tpu.memref_squeeze %dma_start3A_793 : memref<1x80xi32, #tpu.memory_space<vmem>> -> memref<80xi32, #tpu.memory_space<vmem>>
          %dma_start3A_795 = arith.constant 0 : i32
          %dma_start3A_796 = arith.constant 0 : i32
          %dma_start3A_797 = tpu.memref_slice %arg17[%dma_start3A_795, %dma_start3A_796] : memref<10240x16xf32, #tpu.memory_space<vmem_shared>> -> memref<10240x16xf32, #tpu.memory_space<vmem_shared>>
          tpu.enqueue_indirect_dma source(%arg10 : memref<80x16xf32, #tpu.memory_space<vmem>>) target(%dma_start3A_797 : memref<10240x16xf32, #tpu.memory_space<vmem_shared>>) offsets(%dma_start3A_794 : memref<80xi32, #tpu.memory_space<vmem>>) semaphore(%run_scoped3A_791 : memref<!tpu.dma_semaphore, #tpu.memory_space<semaphore_mem>>) {add = true}
          %dma_wait3A_798 = arith.constant 0 : i32
          %dma_wait3A_799 = tpu.memref_slice %arg9[%add3A_768, %dma_wait3A_798] : memref<250x80xi32, #tpu.memory_space<vmem>> -> memref<1x80xi32, #tpu.memory_space<vmem>>
          %dma_wait3A_800 = tpu.memref_squeeze %dma_wait3A_799 : memref<1x80xi32, #tpu.memory_space<vmem>> -> memref<80xi32, #tpu.memory_space<vmem>>
          %dma_wait3A_801 = arith.constant 0 : i32
          %dma_wait3A_802 = arith.constant 0 : i32
          %dma_wait3A_803 = tpu.memref_slice %arg17[%dma_wait3A_801, %dma_wait3A_802] : memref<10240x16xf32, #tpu.memory_space<vmem_shared>> -> memref<10240x16xf32, #tpu.memory_space<vmem_shared>>
          tpu.wait_indirect_dma semaphore(%run_scoped3A_791 : memref<!tpu.dma_semaphore, #tpu.memory_space<semaphore_mem>>) src(%arg10 : memref<80x16xf32, #tpu.memory_space<vmem>>) dst(%dma_wait3A_803 : memref<10240x16xf32, #tpu.memory_space<vmem_shared>>)
          tpu.yield
        }) : () -> ()
      } else {
      }
      %add3A_783 = arith.constant 5 : i32
      %add3A_784 = arith.addi %add3A_768, %add3A_783 : i32
      %dma_start3A_785 = arith.constant 0 : i32
      %dma_start3A_786 = tpu.memref_slice %arg8[%add3A_784, %dma_start3A_785] : memref<250x80xi32, #tpu.memory_space<vmem>> -> memref<1x80xi32, #tpu.memory_space<vmem>>
      %dma_start3A_787 = tpu.memref_squeeze %dma_start3A_786 : memref<1x80xi32, #tpu.memory_space<vmem>> -> memref<80xi32, #tpu.memory_space<vmem>>
      %dma_start3A_788 = arith.constant 0 : i32
      %dma_start3A_789 = arith.constant 0 : i32
      %dma_start3A_790 = tpu.memref_slice %arg2[%dma_start3A_788, %dma_start3A_789] : memref<20000x64xf32, #tpu.memory_space<hbm>> -> memref<20000x64xf32, #tpu.memory_space<hbm>>
      tpu.enqueue_indirect_dma source(%dma_start3A_790 : memref<20000x64xf32, #tpu.memory_space<hbm>>) target(%arg15 : memref<80x64xf32, #tpu.memory_space<vmem>>) offsets(%dma_start3A_787 : memref<80xi32, #tpu.memory_space<vmem>>) semaphore(%arg22 : memref<!tpu.dma_semaphore, #tpu.memory_space<semaphore_mem>>)
    }
    %scan3A_582 = arith.constant 49 : i32
    %dma_wait3A_583 = arith.constant 245 : i32
    %dma_wait3A_584 = arith.constant 0 : i32
    %dma_wait3A_585 = tpu.memref_slice %arg8[%dma_wait3A_583, %dma_wait3A_584] : memref<250x80xi32, #tpu.memory_space<vmem>> -> memref<1x80xi32, #tpu.memory_space<vmem>>
    %dma_wait3A_586 = tpu.memref_squeeze %dma_wait3A_585 : memref<1x80xi32, #tpu.memory_space<vmem>> -> memref<80xi32, #tpu.memory_space<vmem>>
    %dma_wait3A_587 = arith.constant 0 : i32
    %dma_wait3A_588 = arith.constant 0 : i32
    %dma_wait3A_589 = tpu.memref_slice %arg2[%dma_wait3A_587, %dma_wait3A_588] : memref<20000x64xf32, #tpu.memory_space<hbm>> -> memref<20000x64xf32, #tpu.memory_space<hbm>>
    tpu.wait_indirect_dma semaphore(%arg18 : memref<!tpu.dma_semaphore, #tpu.memory_space<semaphore_mem>>) src(%dma_wait3A_589 : memref<20000x64xf32, #tpu.memory_space<hbm>>) dst(%arg11 : memref<80x64xf32, #tpu.memory_space<vmem>>)
    %run_scoped3A = arith.constant 245 : i32
    "tpu.region"() ({
      %run_scoped3A_670 = tpu.sem_alloc : memref<!tpu.dma_semaphore, #tpu.memory_space<semaphore_mem>>
      %dma_start3A_671 = arith.constant 0 : i32
      %dma_start3A_672 = tpu.memref_slice %arg9[%run_scoped3A, %dma_start3A_671] : memref<250x80xi32, #tpu.memory_space<vmem>> -> memref<1x80xi32, #tpu.memory_space<vmem>>
      %dma_start3A_673 = tpu.memref_squeeze %dma_start3A_672 : memref<1x80xi32, #tpu.memory_space<vmem>> -> memref<80xi32, #tpu.memory_space<vmem>>
      %dma_start3A_674 = arith.constant 0 : i32
      %dma_start3A_675 = arith.constant 0 : i32
      %dma_start3A_676 = tpu.memref_slice %arg16[%dma_start3A_674, %dma_start3A_675] : memref<10240x64xf32, #tpu.memory_space<vmem_shared>> -> memref<10240x64xf32, #tpu.memory_space<vmem_shared>>
      tpu.enqueue_indirect_dma source(%arg11 : memref<80x64xf32, #tpu.memory_space<vmem>>) target(%dma_start3A_676 : memref<10240x64xf32, #tpu.memory_space<vmem_shared>>) offsets(%dma_start3A_673 : memref<80xi32, #tpu.memory_space<vmem>>) semaphore(%run_scoped3A_670 : memref<!tpu.dma_semaphore, #tpu.memory_space<semaphore_mem>>) {add = true}
      %dma_wait3A_677 = arith.constant 0 : i32
      %dma_wait3A_678 = tpu.memref_slice %arg9[%run_scoped3A, %dma_wait3A_677] : memref<250x80xi32, #tpu.memory_space<vmem>> -> memref<1x80xi32, #tpu.memory_space<vmem>>
      %dma_wait3A_679 = tpu.memref_squeeze %dma_wait3A_678 : memref<1x80xi32, #tpu.memory_space<vmem>> -> memref<80xi32, #tpu.memory_space<vmem>>
      %dma_wait3A_680 = arith.constant 0 : i32
      %dma_wait3A_681 = arith.constant 0 : i32
      %dma_wait3A_682 = tpu.memref_slice %arg16[%dma_wait3A_680, %dma_wait3A_681] : memref<10240x64xf32, #tpu.memory_space<vmem_shared>> -> memref<10240x64xf32, #tpu.memory_space<vmem_shared>>
      tpu.wait_indirect_dma semaphore(%run_scoped3A_670 : memref<!tpu.dma_semaphore, #tpu.memory_space<semaphore_mem>>) src(%arg11 : memref<80x64xf32, #tpu.memory_space<vmem>>) dst(%dma_wait3A_682 : memref<10240x64xf32, #tpu.memory_space<vmem_shared>>)
      tpu.yield
    }) : () -> ()
    %eq3A = arith.constant 1 : i32
    %eq3A_590 = arith.cmpi eq, %arg0, %eq3A : i32
    %xor3A = arith.constant false
    %xor3A_591 = arith.xori %xor3A, %eq3A_590 : i1
    %convert_element_type3A = arith.extui %xor3A_591 : i1 to i32
    %cond3A = arith.constant 0 : i32
    %cond3A_592 = arith.cmpi ne, %convert_element_type3A, %cond3A : i32
    scf.if %cond3A_592 {
      %run_scoped3A_670 = arith.constant 245 : i32
      "tpu.region"() ({
        %run_scoped3A_671 = tpu.sem_alloc : memref<!tpu.dma_semaphore, #tpu.memory_space<semaphore_mem>>
        %dma_start3A_672 = arith.constant 0 : i32
        %dma_start3A_673 = tpu.memref_slice %arg9[%run_scoped3A_670, %dma_start3A_672] : memref<250x80xi32, #tpu.memory_space<vmem>> -> memref<1x80xi32, #tpu.memory_space<vmem>>
        %dma_start3A_674 = tpu.memref_squeeze %dma_start3A_673 : memref<1x80xi32, #tpu.memory_space<vmem>> -> memref<80xi32, #tpu.memory_space<vmem>>
        %dma_start3A_675 = arith.constant 0 : i32
        %dma_start3A_676 = arith.constant 0 : i32
        %dma_start3A_677 = tpu.memref_slice %arg17[%dma_start3A_675, %dma_start3A_676] : memref<10240x16xf32, #tpu.memory_space<vmem_shared>> -> memref<10240x16xf32, #tpu.memory_space<vmem_shared>>
        tpu.enqueue_indirect_dma source(%arg10 : memref<80x16xf32, #tpu.memory_space<vmem>>) target(%dma_start3A_677 : memref<10240x16xf32, #tpu.memory_space<vmem_shared>>) offsets(%dma_start3A_674 : memref<80xi32, #tpu.memory_space<vmem>>) semaphore(%run_scoped3A_671 : memref<!tpu.dma_semaphore, #tpu.memory_space<semaphore_mem>>) {add = true}
        %dma_wait3A_678 = arith.constant 0 : i32
        %dma_wait3A_679 = tpu.memref_slice %arg9[%run_scoped3A_670, %dma_wait3A_678] : memref<250x80xi32, #tpu.memory_space<vmem>> -> memref<1x80xi32, #tpu.memory_space<vmem>>
        %dma_wait3A_680 = tpu.memref_squeeze %dma_wait3A_679 : memref<1x80xi32, #tpu.memory_space<vmem>> -> memref<80xi32, #tpu.memory_space<vmem>>
        %dma_wait3A_681 = arith.constant 0 : i32
        %dma_wait3A_682 = arith.constant 0 : i32
        %dma_wait3A_683 = tpu.memref_slice %arg17[%dma_wait3A_681, %dma_wait3A_682] : memref<10240x16xf32, #tpu.memory_space<vmem_shared>> -> memref<10240x16xf32, #tpu.memory_space<vmem_shared>>
        tpu.wait_indirect_dma semaphore(%run_scoped3A_671 : memref<!tpu.dma_semaphore, #tpu.memory_space<semaphore_mem>>) src(%arg10 : memref<80x16xf32, #tpu.memory_space<vmem>>) dst(%dma_wait3A_683 : memref<10240x16xf32, #tpu.memory_space<vmem_shared>>)
        tpu.yield
      }) : () -> ()
    } else {
    }
    %dma_wait3A_593 = arith.constant 246 : i32
    %dma_wait3A_594 = arith.constant 0 : i32
    %dma_wait3A_595 = tpu.memref_slice %arg8[%dma_wait3A_593, %dma_wait3A_594] : memref<250x80xi32, #tpu.memory_space<vmem>> -> memref<1x80xi32, #tpu.memory_space<vmem>>
    %dma_wait3A_596 = tpu.memref_squeeze %dma_wait3A_595 : memref<1x80xi32, #tpu.memory_space<vmem>> -> memref<80xi32, #tpu.memory_space<vmem>>
    %dma_wait3A_597 = arith.constant 0 : i32
    %dma_wait3A_598 = arith.constant 0 : i32
    %dma_wait3A_599 = tpu.memref_slice %arg2[%dma_wait3A_597, %dma_wait3A_598] : memref<20000x64xf32, #tpu.memory_space<hbm>> -> memref<20000x64xf32, #tpu.memory_space<hbm>>
    tpu.wait_indirect_dma semaphore(%arg19 : memref<!tpu.dma_semaphore, #tpu.memory_space<semaphore_mem>>) src(%dma_wait3A_599 : memref<20000x64xf32, #tpu.memory_space<hbm>>) dst(%arg12 : memref<80x64xf32, #tpu.memory_space<vmem>>)
    %run_scoped3A_600 = arith.constant 246 : i32
    "tpu.region"() ({
      %run_scoped3A_670 = tpu.sem_alloc : memref<!tpu.dma_semaphore, #tpu.memory_space<semaphore_mem>>
      %dma_start3A_671 = arith.constant 0 : i32
      %dma_start3A_672 = tpu.memref_slice %arg9[%run_scoped3A_600, %dma_start3A_671] : memref<250x80xi32, #tpu.memory_space<vmem>> -> memref<1x80xi32, #tpu.memory_space<vmem>>
      %dma_start3A_673 = tpu.memref_squeeze %dma_start3A_672 : memref<1x80xi32, #tpu.memory_space<vmem>> -> memref<80xi32, #tpu.memory_space<vmem>>
      %dma_start3A_674 = arith.constant 0 : i32
      %dma_start3A_675 = arith.constant 0 : i32
      %dma_start3A_676 = tpu.memref_slice %arg16[%dma_start3A_674, %dma_start3A_675] : memref<10240x64xf32, #tpu.memory_space<vmem_shared>> -> memref<10240x64xf32, #tpu.memory_space<vmem_shared>>
      tpu.enqueue_indirect_dma source(%arg12 : memref<80x64xf32, #tpu.memory_space<vmem>>) target(%dma_start3A_676 : memref<10240x64xf32, #tpu.memory_space<vmem_shared>>) offsets(%dma_start3A_673 : memref<80xi32, #tpu.memory_space<vmem>>) semaphore(%run_scoped3A_670 : memref<!tpu.dma_semaphore, #tpu.memory_space<semaphore_mem>>) {add = true}
      %dma_wait3A_677 = arith.constant 0 : i32
      %dma_wait3A_678 = tpu.memref_slice %arg9[%run_scoped3A_600, %dma_wait3A_677] : memref<250x80xi32, #tpu.memory_space<vmem>> -> memref<1x80xi32, #tpu.memory_space<vmem>>
      %dma_wait3A_679 = tpu.memref_squeeze %dma_wait3A_678 : memref<1x80xi32, #tpu.memory_space<vmem>> -> memref<80xi32, #tpu.memory_space<vmem>>
      %dma_wait3A_680 = arith.constant 0 : i32
      %dma_wait3A_681 = arith.constant 0 : i32
      %dma_wait3A_682 = tpu.memref_slice %arg16[%dma_wait3A_680, %dma_wait3A_681] : memref<10240x64xf32, #tpu.memory_space<vmem_shared>> -> memref<10240x64xf32, #tpu.memory_space<vmem_shared>>
      tpu.wait_indirect_dma semaphore(%run_scoped3A_670 : memref<!tpu.dma_semaphore, #tpu.memory_space<semaphore_mem>>) src(%arg12 : memref<80x64xf32, #tpu.memory_space<vmem>>) dst(%dma_wait3A_682 : memref<10240x64xf32, #tpu.memory_space<vmem_shared>>)
      tpu.yield
    }) : () -> ()
    %eq3A_601 = arith.constant 1 : i32
    %eq3A_602 = arith.cmpi eq, %arg0, %eq3A_601 : i32
    %xor3A_603 = arith.constant false
    %xor3A_604 = arith.xori %xor3A_603, %eq3A_602 : i1
    %convert_element_type3A_605 = arith.extui %xor3A_604 : i1 to i32
    %cond3A_606 = arith.constant 0 : i32
    %cond3A_607 = arith.cmpi ne, %convert_element_type3A_605, %cond3A_606 : i32
    scf.if %cond3A_607 {
      %run_scoped3A_670 = arith.constant 246 : i32
      "tpu.region"() ({
        %run_scoped3A_671 = tpu.sem_alloc : memref<!tpu.dma_semaphore, #tpu.memory_space<semaphore_mem>>
        %dma_start3A_672 = arith.constant 0 : i32
        %dma_start3A_673 = tpu.memref_slice %arg9[%run_scoped3A_670, %dma_start3A_672] : memref<250x80xi32, #tpu.memory_space<vmem>> -> memref<1x80xi32, #tpu.memory_space<vmem>>
        %dma_start3A_674 = tpu.memref_squeeze %dma_start3A_673 : memref<1x80xi32, #tpu.memory_space<vmem>> -> memref<80xi32, #tpu.memory_space<vmem>>
        %dma_start3A_675 = arith.constant 0 : i32
        %dma_start3A_676 = arith.constant 0 : i32
        %dma_start3A_677 = tpu.memref_slice %arg17[%dma_start3A_675, %dma_start3A_676] : memref<10240x16xf32, #tpu.memory_space<vmem_shared>> -> memref<10240x16xf32, #tpu.memory_space<vmem_shared>>
        tpu.enqueue_indirect_dma source(%arg10 : memref<80x16xf32, #tpu.memory_space<vmem>>) target(%dma_start3A_677 : memref<10240x16xf32, #tpu.memory_space<vmem_shared>>) offsets(%dma_start3A_674 : memref<80xi32, #tpu.memory_space<vmem>>) semaphore(%run_scoped3A_671 : memref<!tpu.dma_semaphore, #tpu.memory_space<semaphore_mem>>) {add = true}
        %dma_wait3A_678 = arith.constant 0 : i32
        %dma_wait3A_679 = tpu.memref_slice %arg9[%run_scoped3A_670, %dma_wait3A_678] : memref<250x80xi32, #tpu.memory_space<vmem>> -> memref<1x80xi32, #tpu.memory_space<vmem>>
        %dma_wait3A_680 = tpu.memref_squeeze %dma_wait3A_679 : memref<1x80xi32, #tpu.memory_space<vmem>> -> memref<80xi32, #tpu.memory_space<vmem>>
        %dma_wait3A_681 = arith.constant 0 : i32
        %dma_wait3A_682 = arith.constant 0 : i32
        %dma_wait3A_683 = tpu.memref_slice %arg17[%dma_wait3A_681, %dma_wait3A_682] : memref<10240x16xf32, #tpu.memory_space<vmem_shared>> -> memref<10240x16xf32, #tpu.memory_space<vmem_shared>>
        tpu.wait_indirect_dma semaphore(%run_scoped3A_671 : memref<!tpu.dma_semaphore, #tpu.memory_space<semaphore_mem>>) src(%arg10 : memref<80x16xf32, #tpu.memory_space<vmem>>) dst(%dma_wait3A_683 : memref<10240x16xf32, #tpu.memory_space<vmem_shared>>)
        tpu.yield
      }) : () -> ()
    } else {
    }
    %dma_wait3A_608 = arith.constant 247 : i32
    %dma_wait3A_609 = arith.constant 0 : i32
    %dma_wait3A_610 = tpu.memref_slice %arg8[%dma_wait3A_608, %dma_wait3A_609] : memref<250x80xi32, #tpu.memory_space<vmem>> -> memref<1x80xi32, #tpu.memory_space<vmem>>
    %dma_wait3A_611 = tpu.memref_squeeze %dma_wait3A_610 : memref<1x80xi32, #tpu.memory_space<vmem>> -> memref<80xi32, #tpu.memory_space<vmem>>
    %dma_wait3A_612 = arith.constant 0 : i32
    %dma_wait3A_613 = arith.constant 0 : i32
    %dma_wait3A_614 = tpu.memref_slice %arg2[%dma_wait3A_612, %dma_wait3A_613] : memref<20000x64xf32, #tpu.memory_space<hbm>> -> memref<20000x64xf32, #tpu.memory_space<hbm>>
    tpu.wait_indirect_dma semaphore(%arg20 : memref<!tpu.dma_semaphore, #tpu.memory_space<semaphore_mem>>) src(%dma_wait3A_614 : memref<20000x64xf32, #tpu.memory_space<hbm>>) dst(%arg13 : memref<80x64xf32, #tpu.memory_space<vmem>>)
    %run_scoped3A_615 = arith.constant 247 : i32
    "tpu.region"() ({
      %run_scoped3A_670 = tpu.sem_alloc : memref<!tpu.dma_semaphore, #tpu.memory_space<semaphore_mem>>
      %dma_start3A_671 = arith.constant 0 : i32
      %dma_start3A_672 = tpu.memref_slice %arg9[%run_scoped3A_615, %dma_start3A_671] : memref<250x80xi32, #tpu.memory_space<vmem>> -> memref<1x80xi32, #tpu.memory_space<vmem>>
      %dma_start3A_673 = tpu.memref_squeeze %dma_start3A_672 : memref<1x80xi32, #tpu.memory_space<vmem>> -> memref<80xi32, #tpu.memory_space<vmem>>
      %dma_start3A_674 = arith.constant 0 : i32
      %dma_start3A_675 = arith.constant 0 : i32
      %dma_start3A_676 = tpu.memref_slice %arg16[%dma_start3A_674, %dma_start3A_675] : memref<10240x64xf32, #tpu.memory_space<vmem_shared>> -> memref<10240x64xf32, #tpu.memory_space<vmem_shared>>
      tpu.enqueue_indirect_dma source(%arg13 : memref<80x64xf32, #tpu.memory_space<vmem>>) target(%dma_start3A_676 : memref<10240x64xf32, #tpu.memory_space<vmem_shared>>) offsets(%dma_start3A_673 : memref<80xi32, #tpu.memory_space<vmem>>) semaphore(%run_scoped3A_670 : memref<!tpu.dma_semaphore, #tpu.memory_space<semaphore_mem>>) {add = true}
      %dma_wait3A_677 = arith.constant 0 : i32
      %dma_wait3A_678 = tpu.memref_slice %arg9[%run_scoped3A_615, %dma_wait3A_677] : memref<250x80xi32, #tpu.memory_space<vmem>> -> memref<1x80xi32, #tpu.memory_space<vmem>>
      %dma_wait3A_679 = tpu.memref_squeeze %dma_wait3A_678 : memref<1x80xi32, #tpu.memory_space<vmem>> -> memref<80xi32, #tpu.memory_space<vmem>>
      %dma_wait3A_680 = arith.constant 0 : i32
      %dma_wait3A_681 = arith.constant 0 : i32
      %dma_wait3A_682 = tpu.memref_slice %arg16[%dma_wait3A_680, %dma_wait3A_681] : memref<10240x64xf32, #tpu.memory_space<vmem_shared>> -> memref<10240x64xf32, #tpu.memory_space<vmem_shared>>
      tpu.wait_indirect_dma semaphore(%run_scoped3A_670 : memref<!tpu.dma_semaphore, #tpu.memory_space<semaphore_mem>>) src(%arg13 : memref<80x64xf32, #tpu.memory_space<vmem>>) dst(%dma_wait3A_682 : memref<10240x64xf32, #tpu.memory_space<vmem_shared>>)
      tpu.yield
    }) : () -> ()
    %eq3A_616 = arith.constant 1 : i32
    %eq3A_617 = arith.cmpi eq, %arg0, %eq3A_616 : i32
    %xor3A_618 = arith.constant false
    %xor3A_619 = arith.xori %xor3A_618, %eq3A_617 : i1
    %convert_element_type3A_620 = arith.extui %xor3A_619 : i1 to i32
    %cond3A_621 = arith.constant 0 : i32
    %cond3A_622 = arith.cmpi ne, %convert_element_type3A_620, %cond3A_621 : i32
    scf.if %cond3A_622 {
      %run_scoped3A_670 = arith.constant 247 : i32
      "tpu.region"() ({
        %run_scoped3A_671 = tpu.sem_alloc : memref<!tpu.dma_semaphore, #tpu.memory_space<semaphore_mem>>
        %dma_start3A_672 = arith.constant 0 : i32
        %dma_start3A_673 = tpu.memref_slice %arg9[%run_scoped3A_670, %dma_start3A_672] : memref<250x80xi32, #tpu.memory_space<vmem>> -> memref<1x80xi32, #tpu.memory_space<vmem>>
        %dma_start3A_674 = tpu.memref_squeeze %dma_start3A_673 : memref<1x80xi32, #tpu.memory_space<vmem>> -> memref<80xi32, #tpu.memory_space<vmem>>
        %dma_start3A_675 = arith.constant 0 : i32
        %dma_start3A_676 = arith.constant 0 : i32
        %dma_start3A_677 = tpu.memref_slice %arg17[%dma_start3A_675, %dma_start3A_676] : memref<10240x16xf32, #tpu.memory_space<vmem_shared>> -> memref<10240x16xf32, #tpu.memory_space<vmem_shared>>
        tpu.enqueue_indirect_dma source(%arg10 : memref<80x16xf32, #tpu.memory_space<vmem>>) target(%dma_start3A_677 : memref<10240x16xf32, #tpu.memory_space<vmem_shared>>) offsets(%dma_start3A_674 : memref<80xi32, #tpu.memory_space<vmem>>) semaphore(%run_scoped3A_671 : memref<!tpu.dma_semaphore, #tpu.memory_space<semaphore_mem>>) {add = true}
        %dma_wait3A_678 = arith.constant 0 : i32
        %dma_wait3A_679 = tpu.memref_slice %arg9[%run_scoped3A_670, %dma_wait3A_678] : memref<250x80xi32, #tpu.memory_space<vmem>> -> memref<1x80xi32, #tpu.memory_space<vmem>>
        %dma_wait3A_680 = tpu.memref_squeeze %dma_wait3A_679 : memref<1x80xi32, #tpu.memory_space<vmem>> -> memref<80xi32, #tpu.memory_space<vmem>>
        %dma_wait3A_681 = arith.constant 0 : i32
        %dma_wait3A_682 = arith.constant 0 : i32
        %dma_wait3A_683 = tpu.memref_slice %arg17[%dma_wait3A_681, %dma_wait3A_682] : memref<10240x16xf32, #tpu.memory_space<vmem_shared>> -> memref<10240x16xf32, #tpu.memory_space<vmem_shared>>
        tpu.wait_indirect_dma semaphore(%run_scoped3A_671 : memref<!tpu.dma_semaphore, #tpu.memory_space<semaphore_mem>>) src(%arg10 : memref<80x16xf32, #tpu.memory_space<vmem>>) dst(%dma_wait3A_683 : memref<10240x16xf32, #tpu.memory_space<vmem_shared>>)
        tpu.yield
      }) : () -> ()
    } else {
    }
    %dma_wait3A_623 = arith.constant 248 : i32
    %dma_wait3A_624 = arith.constant 0 : i32
    %dma_wait3A_625 = tpu.memref_slice %arg8[%dma_wait3A_623, %dma_wait3A_624] : memref<250x80xi32, #tpu.memory_space<vmem>> -> memref<1x80xi32, #tpu.memory_space<vmem>>
    %dma_wait3A_626 = tpu.memref_squeeze %dma_wait3A_625 : memref<1x80xi32, #tpu.memory_space<vmem>> -> memref<80xi32, #tpu.memory_space<vmem>>
    %dma_wait3A_627 = arith.constant 0 : i32
    %dma_wait3A_628 = arith.constant 0 : i32
    %dma_wait3A_629 = tpu.memref_slice %arg2[%dma_wait3A_627, %dma_wait3A_628] : memref<20000x64xf32, #tpu.memory_space<hbm>> -> memref<20000x64xf32, #tpu.memory_space<hbm>>
    tpu.wait_indirect_dma semaphore(%arg21 : memref<!tpu.dma_semaphore, #tpu.memory_space<semaphore_mem>>) src(%dma_wait3A_629 : memref<20000x64xf32, #tpu.memory_space<hbm>>) dst(%arg14 : memref<80x64xf32, #tpu.memory_space<vmem>>)
    %run_scoped3A_630 = arith.constant 248 : i32
    "tpu.region"() ({
      %run_scoped3A_670 = tpu.sem_alloc : memref<!tpu.dma_semaphore, #tpu.memory_space<semaphore_mem>>
      %dma_start3A_671 = arith.constant 0 : i32
      %dma_start3A_672 = tpu.memref_slice %arg9[%run_scoped3A_630, %dma_start3A_671] : memref<250x80xi32, #tpu.memory_space<vmem>> -> memref<1x80xi32, #tpu.memory_space<vmem>>
      %dma_start3A_673 = tpu.memref_squeeze %dma_start3A_672 : memref<1x80xi32, #tpu.memory_space<vmem>> -> memref<80xi32, #tpu.memory_space<vmem>>
      %dma_start3A_674 = arith.constant 0 : i32
      %dma_start3A_675 = arith.constant 0 : i32
      %dma_start3A_676 = tpu.memref_slice %arg16[%dma_start3A_674, %dma_start3A_675] : memref<10240x64xf32, #tpu.memory_space<vmem_shared>> -> memref<10240x64xf32, #tpu.memory_space<vmem_shared>>
      tpu.enqueue_indirect_dma source(%arg14 : memref<80x64xf32, #tpu.memory_space<vmem>>) target(%dma_start3A_676 : memref<10240x64xf32, #tpu.memory_space<vmem_shared>>) offsets(%dma_start3A_673 : memref<80xi32, #tpu.memory_space<vmem>>) semaphore(%run_scoped3A_670 : memref<!tpu.dma_semaphore, #tpu.memory_space<semaphore_mem>>) {add = true}
      %dma_wait3A_677 = arith.constant 0 : i32
      %dma_wait3A_678 = tpu.memref_slice %arg9[%run_scoped3A_630, %dma_wait3A_677] : memref<250x80xi32, #tpu.memory_space<vmem>> -> memref<1x80xi32, #tpu.memory_space<vmem>>
      %dma_wait3A_679 = tpu.memref_squeeze %dma_wait3A_678 : memref<1x80xi32, #tpu.memory_space<vmem>> -> memref<80xi32, #tpu.memory_space<vmem>>
      %dma_wait3A_680 = arith.constant 0 : i32
      %dma_wait3A_681 = arith.constant 0 : i32
      %dma_wait3A_682 = tpu.memref_slice %arg16[%dma_wait3A_680, %dma_wait3A_681] : memref<10240x64xf32, #tpu.memory_space<vmem_shared>> -> memref<10240x64xf32, #tpu.memory_space<vmem_shared>>
      tpu.wait_indirect_dma semaphore(%run_scoped3A_670 : memref<!tpu.dma_semaphore, #tpu.memory_space<semaphore_mem>>) src(%arg14 : memref<80x64xf32, #tpu.memory_space<vmem>>) dst(%dma_wait3A_682 : memref<10240x64xf32, #tpu.memory_space<vmem_shared>>)
      tpu.yield
    }) : () -> ()
    %eq3A_631 = arith.constant 1 : i32
    %eq3A_632 = arith.cmpi eq, %arg0, %eq3A_631 : i32
    %xor3A_633 = arith.constant false
    %xor3A_634 = arith.xori %xor3A_633, %eq3A_632 : i1
    %convert_element_type3A_635 = arith.extui %xor3A_634 : i1 to i32
    %cond3A_636 = arith.constant 0 : i32
    %cond3A_637 = arith.cmpi ne, %convert_element_type3A_635, %cond3A_636 : i32
    scf.if %cond3A_637 {
      %run_scoped3A_670 = arith.constant 248 : i32
      "tpu.region"() ({
        %run_scoped3A_671 = tpu.sem_alloc : memref<!tpu.dma_semaphore, #tpu.memory_space<semaphore_mem>>
        %dma_start3A_672 = arith.constant 0 : i32
        %dma_start3A_673 = tpu.memref_slice %arg9[%run_scoped3A_670, %dma_start3A_672] : memref<250x80xi32, #tpu.memory_space<vmem>> -> memref<1x80xi32, #tpu.memory_space<vmem>>
        %dma_start3A_674 = tpu.memref_squeeze %dma_start3A_673 : memref<1x80xi32, #tpu.memory_space<vmem>> -> memref<80xi32, #tpu.memory_space<vmem>>
        %dma_start3A_675 = arith.constant 0 : i32
        %dma_start3A_676 = arith.constant 0 : i32
        %dma_start3A_677 = tpu.memref_slice %arg17[%dma_start3A_675, %dma_start3A_676] : memref<10240x16xf32, #tpu.memory_space<vmem_shared>> -> memref<10240x16xf32, #tpu.memory_space<vmem_shared>>
        tpu.enqueue_indirect_dma source(%arg10 : memref<80x16xf32, #tpu.memory_space<vmem>>) target(%dma_start3A_677 : memref<10240x16xf32, #tpu.memory_space<vmem_shared>>) offsets(%dma_start3A_674 : memref<80xi32, #tpu.memory_space<vmem>>) semaphore(%run_scoped3A_671 : memref<!tpu.dma_semaphore, #tpu.memory_space<semaphore_mem>>) {add = true}
        %dma_wait3A_678 = arith.constant 0 : i32
        %dma_wait3A_679 = tpu.memref_slice %arg9[%run_scoped3A_670, %dma_wait3A_678] : memref<250x80xi32, #tpu.memory_space<vmem>> -> memref<1x80xi32, #tpu.memory_space<vmem>>
        %dma_wait3A_680 = tpu.memref_squeeze %dma_wait3A_679 : memref<1x80xi32, #tpu.memory_space<vmem>> -> memref<80xi32, #tpu.memory_space<vmem>>
        %dma_wait3A_681 = arith.constant 0 : i32
        %dma_wait3A_682 = arith.constant 0 : i32
        %dma_wait3A_683 = tpu.memref_slice %arg17[%dma_wait3A_681, %dma_wait3A_682] : memref<10240x16xf32, #tpu.memory_space<vmem_shared>> -> memref<10240x16xf32, #tpu.memory_space<vmem_shared>>
        tpu.wait_indirect_dma semaphore(%run_scoped3A_671 : memref<!tpu.dma_semaphore, #tpu.memory_space<semaphore_mem>>) src(%arg10 : memref<80x16xf32, #tpu.memory_space<vmem>>) dst(%dma_wait3A_683 : memref<10240x16xf32, #tpu.memory_space<vmem_shared>>)
        tpu.yield
      }) : () -> ()
    } else {
    }
    %dma_wait3A_638 = arith.constant 249 : i32
    %dma_wait3A_639 = arith.constant 0 : i32
    %dma_wait3A_640 = tpu.memref_slice %arg8[%dma_wait3A_638, %dma_wait3A_639] : memref<250x80xi32, #tpu.memory_space<vmem>> -> memref<1x80xi32, #tpu.memory_space<vmem>>
    %dma_wait3A_641 = tpu.memref_squeeze %dma_wait3A_640 : memref<1x80xi32, #tpu.memory_space<vmem>> -> memref<80xi32, #tpu.memory_space<vmem>>
    %dma_wait3A_642 = arith.constant 0 : i32
    %dma_wait3A_643 = arith.constant 0 : i32
    %dma_wait3A_644 = tpu.memref_slice %arg2[%dma_wait3A_642, %dma_wait3A_643] : memref<20000x64xf32, #tpu.memory_space<hbm>> -> memref<20000x64xf32, #tpu.memory_space<hbm>>
    tpu.wait_indirect_dma semaphore(%arg22 : memref<!tpu.dma_semaphore, #tpu.memory_space<semaphore_mem>>) src(%dma_wait3A_644 : memref<20000x64xf32, #tpu.memory_space<hbm>>) dst(%arg15 : memref<80x64xf32, #tpu.memory_space<vmem>>)
    %run_scoped3A_645 = arith.constant 249 : i32
    "tpu.region"() ({
      %run_scoped3A_670 = tpu.sem_alloc : memref<!tpu.dma_semaphore, #tpu.memory_space<semaphore_mem>>
      %dma_start3A_671 = arith.constant 0 : i32
      %dma_start3A_672 = tpu.memref_slice %arg9[%run_scoped3A_645, %dma_start3A_671] : memref<250x80xi32, #tpu.memory_space<vmem>> -> memref<1x80xi32, #tpu.memory_space<vmem>>
      %dma_start3A_673 = tpu.memref_squeeze %dma_start3A_672 : memref<1x80xi32, #tpu.memory_space<vmem>> -> memref<80xi32, #tpu.memory_space<vmem>>
      %dma_start3A_674 = arith.constant 0 : i32
      %dma_start3A_675 = arith.constant 0 : i32
      %dma_start3A_676 = tpu.memref_slice %arg16[%dma_start3A_674, %dma_start3A_675] : memref<10240x64xf32, #tpu.memory_space<vmem_shared>> -> memref<10240x64xf32, #tpu.memory_space<vmem_shared>>
      tpu.enqueue_indirect_dma source(%arg15 : memref<80x64xf32, #tpu.memory_space<vmem>>) target(%dma_start3A_676 : memref<10240x64xf32, #tpu.memory_space<vmem_shared>>) offsets(%dma_start3A_673 : memref<80xi32, #tpu.memory_space<vmem>>) semaphore(%run_scoped3A_670 : memref<!tpu.dma_semaphore, #tpu.memory_space<semaphore_mem>>) {add = true}
      %dma_wait3A_677 = arith.constant 0 : i32
      %dma_wait3A_678 = tpu.memref_slice %arg9[%run_scoped3A_645, %dma_wait3A_677] : memref<250x80xi32, #tpu.memory_space<vmem>> -> memref<1x80xi32, #tpu.memory_space<vmem>>
      %dma_wait3A_679 = tpu.memref_squeeze %dma_wait3A_678 : memref<1x80xi32, #tpu.memory_space<vmem>> -> memref<80xi32, #tpu.memory_space<vmem>>
      %dma_wait3A_680 = arith.constant 0 : i32
      %dma_wait3A_681 = arith.constant 0 : i32
      %dma_wait3A_682 = tpu.memref_slice %arg16[%dma_wait3A_680, %dma_wait3A_681] : memref<10240x64xf32, #tpu.memory_space<vmem_shared>> -> memref<10240x64xf32, #tpu.memory_space<vmem_shared>>
      tpu.wait_indirect_dma semaphore(%run_scoped3A_670 : memref<!tpu.dma_semaphore, #tpu.memory_space<semaphore_mem>>) src(%arg15 : memref<80x64xf32, #tpu.memory_space<vmem>>) dst(%dma_wait3A_682 : memref<10240x64xf32, #tpu.memory_space<vmem_shared>>)
      tpu.yield
    }) : () -> ()
    %eq3A_646 = arith.constant 1 : i32
    %eq3A_647 = arith.cmpi eq, %arg0, %eq3A_646 : i32
    %xor3A_648 = arith.constant false
    %xor3A_649 = arith.xori %xor3A_648, %eq3A_647 : i1
    %convert_element_type3A_650 = arith.extui %xor3A_649 : i1 to i32
    %cond3A_651 = arith.constant 0 : i32
    %cond3A_652 = arith.cmpi ne, %convert_element_type3A_650, %cond3A_651 : i32
    scf.if %cond3A_652 {
      %run_scoped3A_670 = arith.constant 249 : i32
      "tpu.region"() ({
        %run_scoped3A_671 = tpu.sem_alloc : memref<!tpu.dma_semaphore, #tpu.memory_space<semaphore_mem>>
        %dma_start3A_672 = arith.constant 0 : i32
        %dma_start3A_673 = tpu.memref_slice %arg9[%run_scoped3A_670, %dma_start3A_672] : memref<250x80xi32, #tpu.memory_space<vmem>> -> memref<1x80xi32, #tpu.memory_space<vmem>>
        %dma_start3A_674 = tpu.memref_squeeze %dma_start3A_673 : memref<1x80xi32, #tpu.memory_space<vmem>> -> memref<80xi32, #tpu.memory_space<vmem>>
        %dma_start3A_675 = arith.constant 0 : i32
        %dma_start3A_676 = arith.constant 0 : i32
        %dma_start3A_677 = tpu.memref_slice %arg17[%dma_start3A_675, %dma_start3A_676] : memref<10240x16xf32, #tpu.memory_space<vmem_shared>> -> memref<10240x16xf32, #tpu.memory_space<vmem_shared>>
        tpu.enqueue_indirect_dma source(%arg10 : memref<80x16xf32, #tpu.memory_space<vmem>>) target(%dma_start3A_677 : memref<10240x16xf32, #tpu.memory_space<vmem_shared>>) offsets(%dma_start3A_674 : memref<80xi32, #tpu.memory_space<vmem>>) semaphore(%run_scoped3A_671 : memref<!tpu.dma_semaphore, #tpu.memory_space<semaphore_mem>>) {add = true}
        %dma_wait3A_678 = arith.constant 0 : i32
        %dma_wait3A_679 = tpu.memref_slice %arg9[%run_scoped3A_670, %dma_wait3A_678] : memref<250x80xi32, #tpu.memory_space<vmem>> -> memref<1x80xi32, #tpu.memory_space<vmem>>
        %dma_wait3A_680 = tpu.memref_squeeze %dma_wait3A_679 : memref<1x80xi32, #tpu.memory_space<vmem>> -> memref<80xi32, #tpu.memory_space<vmem>>
        %dma_wait3A_681 = arith.constant 0 : i32
        %dma_wait3A_682 = arith.constant 0 : i32
        %dma_wait3A_683 = tpu.memref_slice %arg17[%dma_wait3A_681, %dma_wait3A_682] : memref<10240x16xf32, #tpu.memory_space<vmem_shared>> -> memref<10240x16xf32, #tpu.memory_space<vmem_shared>>
        tpu.wait_indirect_dma semaphore(%run_scoped3A_671 : memref<!tpu.dma_semaphore, #tpu.memory_space<semaphore_mem>>) src(%arg10 : memref<80x16xf32, #tpu.memory_space<vmem>>) dst(%dma_wait3A_683 : memref<10240x16xf32, #tpu.memory_space<vmem_shared>>)
        tpu.yield
      }) : () -> ()
    } else {
    }
    %barrier3A_653 = arith.constant 0 : index
    tpu.barrier barrier_id(%barrier3A_653)
    %mul3A_654 = arith.constant 64 : i32
    %mul3A_655 = arith.muli %arg0, %mul3A_654 : i32
    %mul3A_656 = arith.constant 16 : i32
    %mul3A_657 = arith.muli %arg0, %mul3A_656 : i32
    %dma_start3A_658 = tpu.memref_slice %arg6[%mul3A_0, %mul3A_655] : memref<10240x128xf32, #tpu.memory_space<hbm>> -> memref<640x64xf32, #tpu.memory_space<hbm>>
    %dma_start3A_659 = arith.constant 0 : i32
    %dma_start3A_660 = tpu.memref_slice %arg16[%mul3A_0, %dma_start3A_659] : memref<10240x64xf32, #tpu.memory_space<vmem_shared>> -> memref<640x64xf32, #tpu.memory_space<vmem_shared>>
    tpu.enqueue_dma source(%dma_start3A_660 : memref<640x64xf32, #tpu.memory_space<vmem_shared>>) target(%dma_start3A_658 : memref<640x64xf32, #tpu.memory_space<hbm>>) target_semaphore(%arg18 : memref<!tpu.dma_semaphore, #tpu.memory_space<semaphore_mem>>)
    %dma_start3A_661 = tpu.memref_slice %arg7[%mul3A_0, %mul3A_657] : memref<10240x32xf32, #tpu.memory_space<hbm>> -> memref<640x16xf32, #tpu.memory_space<hbm>>
    %dma_start3A_662 = arith.constant 0 : i32
    %dma_start3A_663 = tpu.memref_slice %arg17[%mul3A_0, %dma_start3A_662] : memref<10240x16xf32, #tpu.memory_space<vmem_shared>> -> memref<640x16xf32, #tpu.memory_space<vmem_shared>>
    tpu.enqueue_dma source(%dma_start3A_663 : memref<640x16xf32, #tpu.memory_space<vmem_shared>>) target(%dma_start3A_661 : memref<640x16xf32, #tpu.memory_space<hbm>>) target_semaphore(%arg19 : memref<!tpu.dma_semaphore, #tpu.memory_space<semaphore_mem>>)
    %dma_wait3A_664 = tpu.memref_slice %arg6[%mul3A_0, %mul3A_655] : memref<10240x128xf32, #tpu.memory_space<hbm>> -> memref<640x64xf32, #tpu.memory_space<hbm>>
    %dma_wait3A_665 = arith.constant 0 : i32
    %dma_wait3A_666 = tpu.memref_slice %arg16[%mul3A_0, %dma_wait3A_665] : memref<10240x64xf32, #tpu.memory_space<vmem_shared>> -> memref<640x64xf32, #tpu.memory_space<vmem_shared>>
    tpu.wait_dma2 semaphore(%arg18 : memref<!tpu.dma_semaphore, #tpu.memory_space<semaphore_mem>>) src(%dma_wait3A_666 : memref<640x64xf32, #tpu.memory_space<vmem_shared>>) dst(%dma_wait3A_664 : memref<640x64xf32, #tpu.memory_space<hbm>>)
    %dma_wait3A_667 = tpu.memref_slice %arg7[%mul3A_0, %mul3A_657] : memref<10240x32xf32, #tpu.memory_space<hbm>> -> memref<640x16xf32, #tpu.memory_space<hbm>>
    %dma_wait3A_668 = arith.constant 0 : i32
    %dma_wait3A_669 = tpu.memref_slice %arg17[%mul3A_0, %dma_wait3A_668] : memref<10240x16xf32, #tpu.memory_space<vmem_shared>> -> memref<640x16xf32, #tpu.memory_space<vmem_shared>>
    tpu.wait_dma2 semaphore(%arg19 : memref<!tpu.dma_semaphore, #tpu.memory_space<semaphore_mem>>) src(%dma_wait3A_669 : memref<640x16xf32, #tpu.memory_space<vmem_shared>>) dst(%dma_wait3A_667 : memref<640x16xf32, #tpu.memory_space<hbm>>)
    return
  }
}

module attributes {stable_mosaic.version = 14 : i64} {
  func.func @_dense_body(%arg0: memref<10240x128xf32, #tpu.memory_space<vmem>>, %arg1: memref<10240x32xf32, #tpu.memory_space<vmem>>, %arg2: memref<128x128xf32, #tpu.memory_space<vmem>>, %arg3: memref<1x128xf32, #tpu.memory_space<vmem>>, %arg4: memref<1x128xf32, #tpu.memory_space<vmem>>, %arg5: memref<1x128xf32, #tpu.memory_space<vmem>>, %arg6: memref<1x128xf32, #tpu.memory_space<vmem>>, %arg7: memref<10000x128xf32, #tpu.memory_space<vmem>>) attributes {dimension_semantics = [], scalar_prefetch = 0 : i64, scratch_operands = 0 : i64, tpu.core_type = #tpu.core_type<tc>} {
    %get3A = arith.constant 0 : index
    %get3A_0 = arith.constant 0 : index
    %get3A_1 = vector.load %arg0[%get3A, %get3A_0] : memref<10240x128xf32, #tpu.memory_space<vmem>>, vector<10000x128xf32>
    %get3A_2 = arith.constant 0 : index
    %get3A_3 = arith.constant 0 : index
    %get3A_4 = vector.load %arg1[%get3A_2, %get3A_3] : memref<10240x32xf32, #tpu.memory_space<vmem>>, vector<10000x1xf32>
    %get3A_5 = arith.constant 0 : index
    %get3A_6 = arith.constant 16 : index
    %get3A_7 = vector.load %arg1[%get3A_5, %get3A_6] : memref<10240x32xf32, #tpu.memory_space<vmem>>, vector<10000x1xf32>
    %add3A = arith.addf %get3A_4, %get3A_7 : vector<10000x1xf32>
    %max3A = arith.constant 1.000000e+00 : f32
    %max3A_8 = vector.broadcast %max3A : f32 to vector<10000x1xf32>
    %max3A_9 = arith.maximumf %add3A, %max3A_8 : vector<10000x1xf32>
    %div3A = vector.broadcast %max3A_9 : vector<10000x1xf32> to vector<10000x128xf32>
    %div3A_10 = arith.divf %get3A_1, %div3A : vector<10000x128xf32>
    %get3A_11 = arith.constant 0 : index
    %get3A_12 = arith.constant 0 : index
    %get3A_13 = vector.load %arg2[%get3A_11, %get3A_12] : memref<128x128xf32, #tpu.memory_space<vmem>>, vector<128x128xf32>
    %dot_general3A = arith.constant dense<0.000000e+00> : vector<10000x128xf32>
    %dot_general3A_14 = tpu.matmul %div3A_10, %get3A_13, %dot_general3A {dimension_numbers = #tpu.dot_dimension_numbers<[1], [0], [0], [1], [0, 0, 1, 1], [], []>, transpose_lhs_hint = false} : vector<10000x128xf32>, vector<128x128xf32>, vector<10000x128xf32> -> vector<10000x128xf32>
    %get3A_15 = arith.constant 0 : index
    %get3A_16 = arith.constant 0 : index
    %get3A_17 = vector.load %arg3[%get3A_15, %get3A_16] : memref<1x128xf32, #tpu.memory_space<vmem>>, vector<1x128xf32>
    %add3A_18 = vector.broadcast %get3A_17 : vector<1x128xf32> to vector<10000x128xf32>
    %add3A_19 = arith.addf %dot_general3A_14, %add3A_18 : vector<10000x128xf32>
    %reduce_sum3A = arith.constant dense<0.000000e+00> : vector<128xf32>
    %reduce_sum3A_20 = vector.multi_reduction <add>, %add3A_19, %reduce_sum3A [0] : vector<10000x128xf32> to vector<128xf32>
    %broadcast_in_dim3A = vector.shape_cast %reduce_sum3A_20 : vector<128xf32> to vector<1x128xf32>
    %div3A_21 = arith.constant 1.000000e+04 : f32
    %div3A_22 = vector.broadcast %div3A_21 : f32 to vector<1x128xf32>
    %div3A_23 = arith.divf %broadcast_in_dim3A, %div3A_22 : vector<1x128xf32>
    %get3A_24 = arith.constant 0 : index
    %get3A_25 = arith.constant 0 : index
    %get3A_26 = vector.load %arg6[%get3A_24, %get3A_25] : memref<1x128xf32, #tpu.memory_space<vmem>>, vector<1x128xf32>
    %mul3A = arith.mulf %get3A_26, %div3A_23 : vector<1x128xf32>
    %sub3A = vector.broadcast %mul3A : vector<1x128xf32> to vector<10000x128xf32>
    %sub3A_27 = arith.subf %add3A_19, %sub3A : vector<10000x128xf32>
    %mul3A_28 = arith.mulf %sub3A_27, %sub3A_27 : vector<10000x128xf32>
    %reduce_sum3A_29 = arith.constant dense<0.000000e+00> : vector<128xf32>
    %reduce_sum3A_30 = vector.multi_reduction <add>, %mul3A_28, %reduce_sum3A_29 [0] : vector<10000x128xf32> to vector<128xf32>
    %broadcast_in_dim3A_31 = vector.shape_cast %reduce_sum3A_30 : vector<128xf32> to vector<1x128xf32>
    %div3A_32 = arith.constant 1.000000e+04 : f32
    %div3A_33 = vector.broadcast %div3A_32 : f32 to vector<1x128xf32>
    %div3A_34 = arith.divf %broadcast_in_dim3A_31, %div3A_33 : vector<1x128xf32>
    %get3A_35 = arith.constant 0 : index
    %get3A_36 = arith.constant 0 : index
    %get3A_37 = vector.load %arg4[%get3A_35, %get3A_36] : memref<1x128xf32, #tpu.memory_space<vmem>>, vector<1x128xf32>
    %add3A_38 = arith.constant 9.99999974E-6 : f32
    %add3A_39 = vector.broadcast %add3A_38 : f32 to vector<1x128xf32>
    %add3A_40 = arith.addf %div3A_34, %add3A_39 : vector<1x128xf32>
    %rsqrt3A = math.rsqrt %add3A_40 : vector<1x128xf32>
    %mul3A_41 = vector.broadcast %rsqrt3A : vector<1x128xf32> to vector<10000x128xf32>
    %mul3A_42 = arith.mulf %sub3A_27, %mul3A_41 : vector<10000x128xf32>
    %mul3A_43 = vector.broadcast %get3A_37 : vector<1x128xf32> to vector<10000x128xf32>
    %mul3A_44 = arith.mulf %mul3A_43, %mul3A_42 : vector<10000x128xf32>
    %get3A_45 = arith.constant 0 : index
    %get3A_46 = arith.constant 0 : index
    %get3A_47 = vector.load %arg5[%get3A_45, %get3A_46] : memref<1x128xf32, #tpu.memory_space<vmem>>, vector<1x128xf32>
    %add3A_48 = vector.broadcast %get3A_47 : vector<1x128xf32> to vector<10000x128xf32>
    %add3A_49 = arith.addf %mul3A_44, %add3A_48 : vector<10000x128xf32>
    %max3A_50 = arith.constant 0.000000e+00 : f32
    %max3A_51 = vector.broadcast %max3A_50 : f32 to vector<10000x128xf32>
    %max3A_52 = arith.maximumf %add3A_49, %max3A_51 : vector<10000x128xf32>
    %swap3A = arith.constant 0 : index
    %swap3A_53 = arith.constant 0 : index
    %swap3A_54 = vector.load %arg7[%swap3A, %swap3A_53] : memref<10000x128xf32, #tpu.memory_space<vmem>>, vector<10000x128xf32>
    tpu.vector_store %arg7[%swap3A, %swap3A_53], %max3A_52 {strides = array<i32>} : memref<10000x128xf32, #tpu.memory_space<vmem>>, vector<10000x128xf32>,
    return
  }
}

</mosaic_0001>

<sc_bundles>
// kernel: kernel.4.cloned.1.call-start
scs
__scs_entry_jumppad:
0x0: {  	(pc) =	sbr.rel $0x88, $3  }
0x1: {  	(tag) =	ssettag $0x0;
	lr =	simm.s32 $0x1  }
0x2: {  	[smem:$0x3F9A] =	sst lr;
	_ =	strace $0xD0000000  }
0x3: {  	_ = 	snop  }
0x4: {  	_ = 	snop  }
0x5: {  	_ = 	snop  }
0x6: {  	_ = 	snop  }
0x7: {  	_ = 	snop  }
__scs_overlays_trampoline_lowered:
0x8: {  	[smem:$0x3FA9] =	sst s0  }
0x9: {  	[smem:$0x3FAA] =	sst s1  }
0xa: {  	[smem:$0x3FAB] =	sst s2  }
0xb: {  	[smem:$0x3FAC] =	sst s3  }
0xc: {  	[smem:$0x3FAD] =	sst s4  }
0xd: {  	[smem:$0x3FAE] =	sst s5  }
0xe: {  	[smem:$0x3FAF] =	sst s6  }
0xf: {  	[smem:$0x3FB0] =	sst s7  }
0x10: {  	[smem:$0x3FB1] =	sst s8  }
0x11: {  	[smem:$0x3FB2] =	sst s9;
	s0 =	simm.s32 @!p0 $0x0  }
0x12: {  	s1 =	sld [smem:$0x3F98];
	s0 =	simm.s32 @p0 $0x1  }
0x13: {  	[smem:$0x3FB3] =	sst s0;
	s0 =	simm.s32 @!p1 $0x0  }
0x14: {  	s2 =	sld [smem:$0x3F97];
	s0 =	simm.s32 @p1 $0x1  }
0x15: {  	[smem:$0x3FB4] =	sst s0;
	s0 =	simm.s32 @!p2 $0x0  }
0x16: {  	s3 =	sld [smem:$0x3FDB];
	s0 =	simm.s32 @p2 $0x1  }
0x17: {  	s4 =	simm.s32 $0x1BF5;
	[smem:$0x3FB6] =	sst s0  }
0x18: {  	s0 =	sld [smem:$0x3F99];
	_ =	swait.ge [sflag:s4], $0x0  }
0x19: {  	s7 =	sld [smem:$0x3F9A]  }
0x1a: {  	s8 =	sadd.s32 $0xFFFFE003, lr  }
0x1b: {  	s9 =	sadd.s32 $0xFFFFFEF7, lr;
	s5 =	simm.s32 $0xFFFFFFFF;
	p2 =	slt.u32 s8, $0xFFFFF086  }
0x1c: {  	p1 =	slt.u32 s9, $0xF7A;
	s5 =	simm.s32 @!p2 $0x0  }
0x1d: {  	s5 =	simm.s32 @p1 $0x1;
	p0 =	seq.s32 s7, s2  }
0x1e: {  	s7 =	smul.u32 @!p0 $0xF7A, s2;
	p2 =	seq.s32 @!p0 s5, $0x0  }
0x1f: {  	s9 =	smul.u32 $0xF7A, s1;
	s8 =	simm.s32 @!p0 $0x1BF5;
	p2 =	por !p2, p0  }
0x20: {  	[sflag:s8] =	ssyncset.s32 @!p0 $0xFFFFF086;
	s6 =	sadd.s32 @!p0 s3, s7;
	s7 =	simm.s32 @!p0 $0x108  }
0x21: {  	s3 =	sadd.s32 s3, s9;
	s6 =	sadd.s32 @!p0 $0x88, s6;
	s7 =	simm.s32 @p2 $0x1082  }
0x22: {  	[simem:s7], [sflag:s8] =	dma.local @!p0 [hbm:s6], $0xF7A  }
0x23: {  	s9 =	sor.u32 $0xD0000000, s2;
	s6 =	simm.s32 $0x108;
	_ =	swait.ge @!p0 [sflag:s8], $0x0  }
0x24: {  	s3 =	sadd.s32 $0x88, s3;
	s6 =	simm.s32 @!p1 $0x1082;
	[sflag:s4] =	ssyncset.s32 $0xFFFFF086  }
0x25: {  	[simem:s6], [sflag:s4] =	dma.local [hbm:s3], $0xF7A  }
0x26: {  	[smem:$0x3F9A] =	sst s1;
	(tag) =	ssettag s2;
	_ =	strace s9  }
0x27: {  	s1 =	sld [smem:$0x3FAA]  }
0x28: {  	s2 =	sld [smem:$0x3FAB]  }
0x29: {  	s4 =	sld [smem:$0x3FAD]  }
0x2a: {  	p0 =	seq.s32 s5, $0x0;
	s5 =	sld [smem:$0x3FAE]  }
0x2b: {  	s6 =	sld [smem:$0x3FAF]  }
0x2c: {  	s7 =	sld [smem:$0x3FB0]  }
0x2d: {  	s3 =	simm.s32 $0x108;
	s8 =	sld [smem:$0x3FB1]  }
0x2e: {  	s3 =	simm.s32 @!p0 $0x1082;
	s9 =	sld [smem:$0x3FB2]  }
0x2f: {  	lr =	sadd.s32 s0, s3;
	s0 =	sld [smem:$0x3FA9]  }
0x30: {  	s3 =	sld [smem:$0x3FAC]  }
0x31: {  	[smem:$0x3FB5] =	sst s10  }
0x32: {  	s10 =	sld [smem:$0x3FB3];
	_ =	sdelay $0x3  }
0x33: {  	p0 =	seq.s32 s10, $0x1;
	s10 =	sld [smem:$0x3FB5];
	_ =	sdelay $0x3  }
0x34: {  	[smem:$0x3FB5] =	sst s10  }
0x35: {  	s10 =	sld [smem:$0x3FB4];
	_ =	sdelay $0x3  }
0x36: {  	p1 =	seq.s32 s10, $0x1;
	s10 =	sld [smem:$0x3FB5];
	_ =	sdelay $0x3  }
0x37: {  	[smem:$0x3FB5] =	sst s10  }
0x38: {  	s10 =	sld [smem:$0x3FB6]  }
0x39: {  	_ = 	snop;
	(pc) =	sbr.ind lr, $3  }
0x3a: {  	_ = 	snop  }
0x3b: {  	_ = 	snop  }
0x3c: {  	p2 =	seq.s32 s10, $0x1;
	s10 =	sld [smem:$0x3FB5]  }
0x3d: {  	_ =	shalt  }
0x3e: {  	_ =	shalt  }
0x3f: {  	_ =	shalt  }
0x40: {  	_ =	shalt  }
0x41: {  	_ =	shalt  }
0x42: {  	_ =	shalt  }
0x43: {  	_ =	shalt  }
0x44: {  	_ =	shalt  }
0x45: {  	_ =	shalt  }
0x46: {  	_ =	shalt  }
0x47: {  	_ =	shalt  }
0x48: {  	_ =	shalt  }
0x49: {  	_ =	shalt  }
0x4a: {  	_ =	shalt  }
0x4b: {  	_ =	shalt  }
0x4c: {  	_ =	shalt  }
0x4d: {  	_ =	shalt  }
0x4e: {  	_ =	shalt  }
0x4f: {  	_ =	shalt  }
0x50: {  	_ =	shalt  }
0x51: {  	_ =	shalt  }
0x52: {  	_ =	shalt  }
0x53: {  	_ =	shalt  }
0x54: {  	_ =	shalt  }
0x55: {  	_ =	shalt  }
0x56: {  	_ =	shalt  }
0x57: {  	_ =	shalt  }
0x58: {  	_ =	shalt  }
0x59: {  	_ =	shalt  }
0x5a: {  	_ =	shalt  }
0x5b: {  	_ =	shalt  }
0x5c: {  	_ =	shalt  }
0x5d: {  	_ =	shalt  }
0x5e: {  	_ =	shalt  }
0x5f: {  	_ =	shalt  }
0x60: {  	_ =	shalt  }
0x61: {  	_ =	shalt  }
0x62: {  	_ =	shalt  }
0x63: {  	_ =	shalt  }
0x64: {  	_ =	shalt  }
0x65: {  	_ =	shalt  }
0x66: {  	_ =	shalt  }
0x67: {  	_ =	shalt  }
0x68: {  	_ =	shalt  }
0x69: {  	_ =	shalt  }
0x6a: {  	_ =	shalt  }
0x6b: {  	_ =	shalt  }
0x6c: {  	_ =	shalt  }
0x6d: {  	_ =	shalt  }
0x6e: {  	_ =	shalt  }
0x6f: {  	_ =	shalt  }
0x70: {  	_ =	shalt  }
0x71: {  	_ =	shalt  }
0x72: {  	_ =	shalt  }
0x73: {  	_ =	shalt  }
0x74: {  	_ =	shalt  }
0x75: {  	_ =	shalt  }
0x76: {  	_ =	shalt  }
0x77: {  	_ =	shalt  }
0x78: {  	_ =	shalt  }
0x79: {  	_ =	shalt  }
0x7a: {  	_ =	shalt  }
0x7b: {  	_ =	shalt  }
0x7c: {  	_ =	shalt  }
0x7d: {  	_ =	shalt  }
0x7e: {  	_ =	shalt  }
0x7f: {  	_ =	shalt  }
0x80: {  	_ =	shalt  }
0x81: {  	_ =	shalt  }
0x82: {  	_ =	shalt  }
0x83: {  	_ =	shalt  }
0x84: {  	_ =	shalt  }
0x85: {  	_ =	shalt  }
0x86: {  	_ =	shalt  }
0x87: {  	_ =	shalt  }
.Lfunc_end0:
.L_simem_size_0:
called_computation_lowered:
.L_overlay_start_0:
0x88: {  	s2 =	sld [smem:$0x3FD9]  }
0x89: {  	s3 =	sld [smem:$0x3FFE];
	_ =	sdelay $0x1  }
0x8a: {  	s1 =	srdreg.scid  }
0x8b: {  	s0 =	sand.u32 $0x1, s1  }
0x8c: {  	s17 =	sshll.u32 s0, $0xA;
	s2 =	sadd.s32 s3, s2  }
0x8d: {  	s2 =	sadd.s32 s2, s17  }
0x8e: {  	[smem:$0x3FC1] =	sst s2  }
0x8f: {  	_ = 	snop  }
0x90: {  	s2 =	sld [smem:$0x3FC9]  }
0x91: {  	s18 =	sld [smem:$0x3FD0];
	(tm) =	ssettm $0x1  }
0x92: {  	s4 =	sld [smem:$0x3FFB];
	_ =	sdelay $0x3  }
0x93: {  	_ =	strace s4  }
0x94: {  	s4 =	sld [smem:$0x3FFC];
	_ =	sdelay $0x3  }
0x95: {  	_ =	strace s4  }
0x96: {  	s4 =	sld [smem:$0x3FFD];
	_ =	sdelay $0x3  }
0x97: {  	_ =	strace s4  }
0x98: {  	_ =	strace $0x8FFFFFFF  }
0x99: {  	s19 =	sld [smem:$0x3FDB];
	_ =	sdelay $0x1  }
0x9a: {  	s5 =	simm.s32 $_scs_section_size  }
0x9b: {  	s6 =	simm.s32 $_size__tile_overlayer_lowered;
	s7 =	simm.s32 $_tile_overlayer_lowered  }
0x9c: {  	s22 =	simm.s32 $0x1BFF;
	s21 =	sshll.u32 s7, $0x1;
	s4 =	sadd.s32 s5, s19  }
0x9d: {  	s8 =	simm.s32 $0x0;
	s20 =	sshll.u32 s6, $0x1;
	s6 =	sadd.s32 s21, s4  }
0x9e: {  	[timem:s8], [sflag:s22] =	dma.local [hbm:s6], s20  }
0x9f: {  	_ =	swait.ge [sflag:s22], s20  }
0xa0: {  	s5 =	ssub.s32 $0x0, s20;
	[sflag:s22] =	ssyncset.done $0x0  }
0xa1: {  	[sflag:s22] =	ssyncadd.s32 s5;
	_ =	sdelay $0x1  }
0xa2: {  	s23 =	simm.s32 $0x1B8B  }
0xa3: {  	_ =	swait.ge [sflag:s23], $0x1  }
0xa4: {  	[sflag:s23] =	ssyncset.done $0x0  }
0xa5: {  	s25 =	simm.s32 $0x1B8E;
	s24 =	sld [smem:$0x3FFE];
	[sflag:s23] =	ssyncadd.s32 $0xFFFFFFFF  }
0xa6: {  	s26 =	simm.s32 $execute0_lowered;
	[smem:$0x3FD2] =	sst s25  }
0xa7: {  	s6 =	sshll.u32 s26, $0x1;
	_ =	strace $0x80000046;
	[dreg:$0x1] =	wrdreg $0xFFFFFFFF  }
0xa8: {  	s28 =	simm.s32 $_size_execute0_lowered;
	s4 =	sadd.s32 s4, s6;
	[dreg:$0x0] =	wrdreg $0x0  }
0xa9: {  	s6 =	sshll.u32 s28, $0x1;
	[dreg:$0x2] =	wrdreg s4  }
0xaa: {  	[dreg:$0x3] =	wrdreg s6  }
0xab: {  	[dreg:$0x4] =	wrdreg $0xC0  }
0xac: {  	_ =	task [dreg:s8], $0x5FFFF  }
0xad: {  	[dreg:$0x1] =	wrdreg $0xFFFFFFFF  }
0xae: {  	[dreg:$0x0] =	wrdreg $0x60  }
0xaf: {  	[dreg:$0x2] =	wrdreg s2  }
0xb0: {  	[dreg:$0x3] =	wrdreg s24  }
0xb1: {  	[dreg:$0x4] =	wrdreg s18  }
0xb2: {  	[dreg:$0x5] =	wrdreg $0x105400  }
0xb3: {  	[dreg:$0x6] =	wrdreg $0x1A5400  }
0xb4: {  	[dreg:$0x7] =	wrdreg $0x9  }
0xb5: {  	_ =	task.clear_ibuf [dreg:s8], $0x8FFFF;
	_ =	strace $0x90000046  }
0xb6: {  	s29 =	simm.s32 $0x9;
	_ =	strace $0x80000048  }
0xb7: {  	_ =	swait.ge [sflag:s29], $0x1  }
0xb8: {  	[sflag:s29] =	ssyncadd.s32 $0xFFFFFFFF  }
0xb9: {  	_ =	strace $0x90000048  }
0xba: {  	_ =	sfence  }
0xbb: {  	s30 =	sld [smem:$0x0];
	_ =	sdelay $0x2  }
0xbc: {  	s31 =	sshll.u32 s1, $0xD;
	s1 =	sshrl.u32 s1, $0x2  }
0xbd: {  	s3 =	sand.u32 $0x4000, s31;
	s1 =	sadd.s32 s1, s30  }
0xbe: {  	s0 =	sor.u32 s3, s0;
	s1 =	sshll.u32 s1, $0x11  }
0xbf: {  	s0 =	sor.u32 s1, s0  }
0xc0: {  	s0 =	sadd.s32 $0x8F2B, s0  }
0xc1: {  	[sflag:s0] =	ssyncadd.remote.s32 $0x1  }
0xc2: {  	_ =	sfence.sel $0xFFFF  }
0xc3: {  	[dreg:$0x0] =	wrdreg $0xFFFFFFFF;
	(pc) =	sbr.abs _section_cstart, $3  }
0xc4: {  	[dreg:$0x1] =	wrdreg $0xFFFFFFFF  }
0xc5: {  	_ =	task.clear_ibuf [dreg:s8], $0x2FFFF;
	_ =	strace $0x9FFFFFFF  }
0xc6: {  	(tm) =	ssettm $0x7FFFFFFF  }
0xc7: {  	_ =	shalt  }
tec
execute0_lowered:
.L_overlay_start_1:
0x0: {  	(tag) =	ssettag $0x1  }
0x1: {  	s1 =	rddreg [dreg:$0x0]  }
0x2: {  	s0 =	rddreg [dreg:$0x1]  }
0x3: {  	s2 =	rddreg [dreg:$0x2]  }
0x4: {  	s3 =	rddreg [dreg:$0x3]  }
0x5: {  	s4 =	rddreg [dreg:$0x4];
	s5 =	simm.s32 $0x0;
	s14 =	stileid.u32  }
0x6: {  	s7 =	srdreg.scid;
	s28 =	simm.s32 $0xC940;
	s12 =	smul.u32 $0x4E20, s14  }
0x7: {  	s30 =	simm.s32 $0xDD40;
	s31 =	simm.s32 $0x0;
	s6 =	smul.u32 $0x2800, s14  }
0x8: {  	[smem:$0x7FF] =	sst s5;
	s7 =	sand.u32 $0x1, s7;
	s8 =	smul.u32 $0x14000, s14  }
0x9: {  	s13 =	smul.u32 $0x5000, s14;
	s20 =	sshll.u32 s14, $0x6;
	_ =	strace $0x80000047  }
0xa: {  	s9 =	sshll.u32 s7, $0x6;
	s11 =	sshll.u32 s7, $0x4;
	s16 =	ssub.s32 $0x2, s7  }
0xb: {  	s22 =	sor.u32 $0x1C03, s20;
	p0 =	seq.s32 s7, $0x1;
	[dreg:$0x8] =	wrdreg s20  }
0xc: {  	s29 =	sor.u32 $0x1C04, s20;
	s20 =	simm.s32 $0x2;
	p2 =	seq.s32 s7, $0x0  }
0xd: {  	s5 =	sshrl.u32 s12, $0x3;
	s10 =	sshrl.u32 s6, $0x3;
	s8 =	sor.u32 s9, s8  }
0xe: {  	s15 =	sor.u32 s11, s13;
	s17 =	sshrl.u32 s16, $0x1;
	[dreg:$0xa] =	wrdreg s22  }
0xf: {  	s13 =	smul.u32 $0xA000, s14;
	s23 =	sadd.s32 s6, s4;
	[dreg:$0x10] =	wrdreg s29  }
0x10: {  	s22 =	simm.s32 $0x4;
	p1 =	por !p0, !p0;
	s5 =	sadd.s32 s5, s0  }
0x11: {  	s10 =	sadd.s32 s10, s0;
	s8 =	sshrl.u32 s8, $0x3;
	s9 =	ssub.s32 s16, s17  }
0x12: {  	s12 =	sadd.s32 s8, s0;
	s8 =	sshrl.u32 s15, $0x3;
	s18 =	sadd.s32 $0x1400, s5  }
0x13: {  	s5 =	sadd.s32 $0xB040, s5;
	s19 =	sshrl.u32 s13, $0x3;
	[dreg:$0x6] =	wrdreg s18  }
0x14: {  	s21 =	sadd.s32 s13, s3;
	s24 =	sadd.s32 $0x14E00, s10;
	[dreg:$0x7] =	wrdreg s5  }
0x15: {  	s26 =	smax.u32 s9, $0x1;
	s0 =	sadd.s32 s8, s0;
	[dreg:$0xb] =	wrdreg s24  }
0x16: {  	s2 =	sadd.s32 s2, s19;
	s25 =	sadd.s32 $0x23E00, s12;
	[dreg:$0xe] =	wrdreg s26  }
0x17: {  	s9 =	sshrl.u32 s21, $0x3;
	s8 =	sshrl.u32 s23, $0x3;
	[dreg:$0x9] =	wrdreg s2  }
0x18: {  	s19 =	simm.s32 $0x1;
	s12 =	simm.s32 $0x3;
	[dreg:$0xc] =	wrdreg s25  }
0x19: {  	s23 =	simm.s32 $0x50;
	s24 =	simm.s32 $0xA140;
	[dreg:$0xf] =	wrdreg s9  }
0x1a: {  	s0 =	sadd.s32 $0x19E00, s0;
	s25 =	simm.s32 $0xB540;
	[dreg:$0x11] =	wrdreg s8  }
0x1b: {  	v1 =	vimm.f32 $1.000000000e+00;
	v0 =	vmov s7;
	s2 =	simm.s32 $0x6;
	[dreg:$0xd] =	wrdreg s0;
	s0 =	simm.s32 $0xF140  }
.LBB2_1:
0x1c: {  	s6 =	rddreg [dreg:$0x6]  }
0x1d: {  	s21 =	rddreg [dreg:$0x7]  }
0x1e: {  	s5 =	simm.s32 $0x0;
	s26 =	rddreg [dreg:$0x9]  }
0x1f: {  	[tilespmem:s5], [sflag:$0x1] =	stream.linear.gather [hbm4b:s6+s5], $0x4E20, $0x38;
	[tilespmem:$0x1CD40] =	vst v63  }
0x20: {  	s7 =	simm.s32 $0x4E20;
	s29 =	rddreg [dreg:$0xa]  }
0x21: {  	[tilespmem:s7], [sflag:$0x2] =	stream.linear.gather [hbm4b:s21+s5], $0x4E20, $0x38;
	[tilespmem:$0x1CD40] =	vst v63  }
0x22: {  	[spmem:s9], [sflag:s29] =	dma.local [hbm:s26], $0x1400  }
0x23: {  	s5 =	rddreg [dreg:$0xb]  }
0x24: {  	s6 =	rddreg [dreg:$0x10]  }
0x25: {  	[spmem:s8], [sflag:s6] =	dma.local [hbm:s5], $0x500;
	[tilespmem:$0x9C40] =	vst v1  }
0x26: {  	[tilespmem:$0x9C50] =	vst v1  }
0x27: {  	[tilespmem:$0x9C60] =	vst v1  }
0x28: {  	[tilespmem:$0x9C70] =	vst v1  }
0x29: {  	[tilespmem:$0x9C80] =	vst v1  }
0x2a: {  	[tilespmem:$0x9C90] =	vst v1  }
0x2b: {  	[tilespmem:$0x9CA0] =	vst v1  }
0x2c: {  	[tilespmem:$0x9CB0] =	vst v1  }
0x2d: {  	[tilespmem:$0x9CC0] =	vst v1  }
0x2e: {  	[tilespmem:$0x9CD0] =	vst v1  }
0x2f: {  	[tilespmem:$0x9CE0] =	vst v1  }
0x30: {  	[tilespmem:$0x9CF0] =	vst v1  }
0x31: {  	[tilespmem:$0x9D00] =	vst v1  }
0x32: {  	[tilespmem:$0x9D10] =	vst v1  }
0x33: {  	[tilespmem:$0x9D20] =	vst v1  }
0x34: {  	[tilespmem:$0x9D30] =	vst v1  }
0x35: {  	[tilespmem:$0x9D40] =	vst v1  }
0x36: {  	[tilespmem:$0x9D50] =	vst v1  }
0x37: {  	[tilespmem:$0x9D60] =	vst v1  }
0x38: {  	[tilespmem:$0x9D70] =	vst v1  }
0x39: {  	[tilespmem:$0x9D80] =	vst v1  }
0x3a: {  	[tilespmem:$0x9D90] =	vst v1  }
0x3b: {  	[tilespmem:$0x9DA0] =	vst v1  }
0x3c: {  	[tilespmem:$0x9DB0] =	vst v1  }
0x3d: {  	[tilespmem:$0x9DC0] =	vst v1  }
0x3e: {  	[tilespmem:$0x9DD0] =	vst v1  }
0x3f: {  	[tilespmem:$0x9DE0] =	vst v1  }
0x40: {  	[tilespmem:$0x9DF0] =	vst v1  }
0x41: {  	[tilespmem:$0x9E00] =	vst v1  }
0x42: {  	[tilespmem:$0x9E10] =	vst v1  }
0x43: {  	[tilespmem:$0x9E20] =	vst v1  }
0x44: {  	[tilespmem:$0x9E30] =	vst v1  }
0x45: {  	[tilespmem:$0x9E40] =	vst v1  }
0x46: {  	[tilespmem:$0x9E50] =	vst v1  }
0x47: {  	[tilespmem:$0x9E60] =	vst v1  }
0x48: {  	[tilespmem:$0x9E70] =	vst v1  }
0x49: {  	[tilespmem:$0x9E80] =	vst v1  }
0x4a: {  	[tilespmem:$0x9E90] =	vst v1  }
0x4b: {  	[tilespmem:$0x9EA0] =	vst v1  }
0x4c: {  	[tilespmem:$0x9EB0] =	vst v1  }
0x4d: {  	[tilespmem:$0x9EC0] =	vst v1  }
0x4e: {  	[tilespmem:$0x9ED0] =	vst v1  }
0x4f: {  	[tilespmem:$0x9EE0] =	vst v1  }
0x50: {  	[tilespmem:$0x9EF0] =	vst v1  }
0x51: {  	[tilespmem:$0x9F00] =	vst v1  }
0x52: {  	[tilespmem:$0x9F10] =	vst v1  }
0x53: {  	[tilespmem:$0x9F20] =	vst v1  }
0x54: {  	[tilespmem:$0x9F30] =	vst v1  }
0x55: {  	[tilespmem:$0x9F40] =	vst v1  }
0x56: {  	[tilespmem:$0x9F50] =	vst v1  }
0x57: {  	[tilespmem:$0x9F60] =	vst v1  }
0x58: {  	[tilespmem:$0x9F70] =	vst v1  }
0x59: {  	[tilespmem:$0x9F80] =	vst v1  }
0x5a: {  	[tilespmem:$0x9F90] =	vst v1  }
0x5b: {  	[tilespmem:$0x9FA0] =	vst v1  }
0x5c: {  	[tilespmem:$0x9FB0] =	vst v1  }
0x5d: {  	[tilespmem:$0x9FC0] =	vst v1  }
0x5e: {  	[tilespmem:$0x9FD0] =	vst v1  }
0x5f: {  	[tilespmem:$0x9FE0] =	vst v1  }
0x60: {  	[tilespmem:$0x9FF0] =	vst v1  }
0x61: {  	[tilespmem:$0xA000] =	vst v1  }
0x62: {  	[tilespmem:$0xA010] =	vst v1  }
0x63: {  	[tilespmem:$0xA020] =	vst v1  }
0x64: {  	[tilespmem:$0xA030] =	vst v1  }
0x65: {  	[tilespmem:$0xA040] =	vst v1  }
0x66: {  	[tilespmem:$0xA050] =	vst v1  }
0x67: {  	[tilespmem:$0xA060] =	vst v1  }
0x68: {  	[tilespmem:$0xA070] =	vst v1  }
0x69: {  	[tilespmem:$0xA080] =	vst v1  }
0x6a: {  	[tilespmem:$0xA090] =	vst v1  }
0x6b: {  	[tilespmem:$0xA0A0] =	vst v1  }
0x6c: {  	[tilespmem:$0xA0B0] =	vst v1  }
0x6d: {  	[tilespmem:$0xA0C0] =	vst v1  }
0x6e: {  	[tilespmem:$0xA0D0] =	vst v1  }
0x6f: {  	[tilespmem:$0xA0E0] =	vst v1  }
0x70: {  	[tilespmem:$0xA0F0] =	vst v1  }
0x71: {  	[tilespmem:$0xA100] =	vst v1  }
0x72: {  	[tilespmem:$0xA110] =	vst v1  }
0x73: {  	[tilespmem:$0xA120] =	vst v1  }
0x74: {  	[tilespmem:$0xA130] =	vst v1  }
0x75: {  	_ =	swait.ge [sflag:s19], $0x4E20  }
0x76: {  	[sflag:s19] =	ssyncset.done $0x0  }
0x77: {  	s5 =	simm.s32 $0x0;
	[sflag:s19] =	ssyncadd.s32 $0xFFFFB1E0  }
0x78: {  	v4 =	vld [tilespmem:s5+$0x0]  }
0x79: {  	v5 =	vld [tilespmem:s5+$0x10]  }
0x7a: {  	v3 =	vld [tilespmem:s5+$0x20]  }
0x7b: {  	s6 =	simm.s32 $0x140;
	v2 =	vld [tilespmem:s5+$0x30]  }
.LBB2_2:
0x7c: {  	p3 =	sne.s32 s6, $0x13740;
	v6 =	vld [tilespmem:s5+$0x40]  }
0x7d: {  	v4 =	vshll.u32 v4, $0x1  }
0x7e: {  	v4 =	vor.u32 v0, v4;
	v5 =	vshll.u32 v5, $0x1  }
.Ltmp0:
0x7f: {  	s7 =	sshra.s32 s6, $0x2;
	[tilespmem:s5+$0x0] =	vst v4;
	v5 =	vor.u32 v0, v5;
	v3 =	vshll.u32 v3, $0x1;
	(pc) =	sbr.rel @p3 .LBB2_2-.Ltmp0, $4  }
0x80: {  	v4 =	vld [tilespmem:s7+$0x0];
	[tilespmem:s5+$0x10] =	vst v5;
	v3 =	vor.u32 v0, v3;
	v2 =	vshll.u32 v2, $0x1  }
0x81: {  	v5 =	vld [tilespmem:s7+$0x10];
	[tilespmem:s5+$0x20] =	vst v3;
	v2 =	vor.u32 v0, v2;
	v6 =	vshll.u32 v6, $0x1  }
0x82: {  	v3 =	vld [tilespmem:s7+$0x20];
	[tilespmem:s5+$0x30] =	vst v2;
	v6 =	vor.u32 v0, v6  }
0x83: {  	s6 =	sadd.s32 $0x140, s6;
	v2 =	vld [tilespmem:s7+$0x30];
	[tilespmem:s5+$0x40] =	vst v6;
	s5 =	smov.u32 s7  }
0x84: {  	v6 =	vld [tilespmem:s5+$0x40]  }
0x85: {  	v4 =	vshll.u32 v4, $0x1  }
0x86: {  	v4 =	vor.u32 v0, v4;
	v5 =	vshll.u32 v5, $0x1  }
0x87: {  	[tilespmem:s5+$0x0] =	vst v4;
	v63 =	vor.u32 v0, v5;
	v3 =	vshll.u32 v3, $0x1  }
0x88: {  	[tilespmem:s5+$0x10] =	vst v63;
	v3 =	vor.u32 v0, v3;
	v2 =	vshll.u32 v2, $0x1  }
0x89: {  	[tilespmem:s5+$0x20] =	vst v3;
	v2 =	vor.u32 v0, v2;
	v3 =	vshll.u32 v6, $0x1  }
0x8a: {  	[tilespmem:s5+$0x30] =	vst v2;
	v2 =	vor.u32 v0, v3  }
0x8b: {  	[tilespmem:s5+$0x40] =	vst v2  }
0x8c: {  	_ =	swait.ge [sflag:s20], $0x4E20  }
0x8d: {  	[sflag:s20] =	ssyncset.done $0x0  }
0x8e: {  	[sflag:s20] =	ssyncadd.s32 $0xFFFFB1E0  }
0x8f: {  	_ =	swait.ge [sflag:s12], $0x1400  }
0x90: {  	[sflag:s12] =	ssyncset.done $0x0  }
0x91: {  	[sflag:s12] =	ssyncadd.s32 $0xFFFFEC00  }
0x92: {  	_ =	swait.ge [sflag:s22], $0x500  }
0x93: {  	[sflag:s22] =	ssyncset.done $0x0  }
0x94: {  	[sflag:s22] =	ssyncadd.s32 $0xFFFFFB00  }
0x95: {  	s15 =	simm.s32 $0x0;
	[bflag:$0x0] =	sbarrier.arrive $0xFFFF  }
0x96: {  	[tilespmem:s24], [sflag:$0x1] =	stream.indirect.gather [hbm4b:s1+s23], $0x40, s15, s23, $0xb8;
	[tilespmem:$0x1CD40] =	vst v63  }
0x97: {  	_ = 	snop  }
0x98: {  	[tilespmem:s25], [sflag:$0x2] =	stream.indirect.gather [hbm4b:s1+s23], $0x40, s23, s23, $0xb8;
	[tilespmem:$0x1CD40] =	vst v63  }
0x99: {  	s16 =	simm.s32 $0xA0  }
0x9a: {  	[tilespmem:s28], [sflag:$0x3] =	stream.indirect.gather [hbm4b:s1+s23], $0x40, s16, s23, $0xb8;
	[tilespmem:$0x1CD40] =	vst v63  }
0x9b: {  	s17 =	simm.s32 $0xF0  }
0x9c: {  	[tilespmem:s30], [sflag:$0x4] =	stream.indirect.gather [hbm4b:s1+s23], $0x40, s17, s23, $0xb8;
	[tilespmem:$0x1CD40] =	vst v63  }
0x9d: {  	s18 =	simm.s32 $0x140  }
0x9e: {  	[tilespmem:s0], [sflag:$0x5] =	stream.indirect.gather [hbm4b:s1+s23], $0x40, s18, s23, $0xb8;
	[tilespmem:$0x1CD40] =	vst v63  }
0x9f: {  	_ =	swait.ge [sflag:s19], $0x1400  }
0xa0: {  	s7 =	simm.s32 $0x4E20;
	[sflag:s19] =	ssyncset.done $0x0  }
0xa1: {  	p4 =	por $0x1, $0x1;
	p3 =	por p1, p1;
	[sflag:s19] =	ssyncadd.s32 $0xFFFFEC00  }
0xa2: {  	[spmem:s3] =	stream.indirect.scatter.add.f32 [tilespmem:s24], [sflag:$0x6], $0x40, s7, s23, $0xb8;
	[tilespmem:$0x1CD40] =	vst v63  }
0xa3: {  	p3 =	por @!p4 p0, p0;
	_ =	swait.ge [sflag:s2], $0x1400  }
0xa4: {  	s6 =	simm.s32 @p3 $0x9C40;
	[sflag:s2] =	ssyncset.done $0x0  }
0xa5: {  	s26 =	simm.s32 @p3 $0x6;
	s5 =	simm.s32 @p3 $0x50;
	[sflag:s2] =	ssyncadd.s32 $0xFFFFEC00  }
0xa6: {  	[spmem:s4] =	stream.indirect.scatter.add.f32 @p3 [tilespmem:s6], [sflag:$0x6], $0x10, s7, s5, $0xb8;
	[tilespmem:$0x1CD40] =	vst v63  }
0xa7: {  	_ =	swait.ge @p3 [sflag:s26], $0x500  }
0xa8: {  	[sflag:s26] =	ssyncset.done @p3 $0x0  }
0xa9: {  	s21 =	simm.s32 $0x190;
	[sflag:s26] =	ssyncadd.s32 @p3 $0xFFFFFB00  }
0xaa: {  	[tilespmem:s24], [sflag:$0x1] =	stream.indirect.gather [hbm4b:s1+s23], $0x40, s21, s23, $0xb8;
	[tilespmem:$0x1CD40] =	vst v63  }
0xab: {  	_ =	swait.ge [sflag:s20], $0x1400  }
0xac: {  	[sflag:s20] =	ssyncset.done $0x0  }
0xad: {  	s7 =	simm.s32 $0x4E70;
	[sflag:s20] =	ssyncadd.s32 $0xFFFFEC00  }
0xae: {  	[spmem:s3] =	stream.indirect.scatter.add.f32 [tilespmem:s25], [sflag:$0x6], $0x40, s7, s23, $0xb8;
	[tilespmem:$0x1CD40] =	vst v63  }
0xaf: {  	_ =	swait.ge [sflag:s2], $0x1400  }
0xb0: {  	s9 =	simm.s32 @!p3 $0x1E0;
	s10 =	simm.s32 @!p3 $0x50;
	[sflag:s2] =	ssyncset.done $0x0  }
0xb1: {  	s11 =	simm.s32 @!p3 $0xB540;
	s12 =	simm.s32 @!p3 $0x3;
	[sflag:s2] =	ssyncadd.s32 $0xFFFFEC00  }
0xb2: {  	[tilespmem:s11], [sflag:$0x2] =	stream.indirect.gather @!p3 [hbm4b:s1+s10], $0x40, s9, s10, $0xb8;
	[tilespmem:$0x1CD40] =	vst v63  }
0xb3: {  	_ =	swait.ge @!p3 [sflag:s12], $0x1400  }
0xb4: {  	s9 =	simm.s32 @!p3 $0x4EC0;
	[sflag:s12] =	ssyncset.done @!p3 $0x0  }
0xb5: {  	s11 =	simm.s32 @!p3 $0xC940;
	[sflag:s12] =	ssyncadd.s32 @!p3 $0xFFFFEC00;
	s12 =	simm.s32 @!p3 $0x6  }
0xb6: {  	[spmem:s3] =	stream.indirect.scatter.add.f32 @!p3 [tilespmem:s11], [sflag:$0x6], $0x40, s9, s10, $0xb8;
	[tilespmem:$0x1CD40] =	vst v63  }
0xb7: {  	_ =	swait.ge @!p3 [sflag:s12], $0x1400  }
0xb8: {  	[sflag:s12] =	ssyncset.done @!p3 $0x0  }
0xb9: {  	[sflag:s12] =	ssyncadd.s32 @!p3 $0xFFFFEC00  }
0xba: {  	[spmem:s4] =	stream.indirect.scatter.add.f32 @p3 [tilespmem:s6], [sflag:$0x6], $0x10, s7, s5, $0xb8;
	[tilespmem:$0x1CD40] =	vst v63  }
0xbb: {  	_ =	swait.ge @p3 [sflag:s26], $0x500  }
0xbc: {  	s9 =	simm.s32 @p3 $0xB540;
	[sflag:s26] =	ssyncset.done @p3 $0x0  }
0xbd: {  	s11 =	simm.s32 @p3 $0x3;
	s7 =	simm.s32 @p3 $0x1E0;
	[sflag:s26] =	ssyncadd.s32 @p3 $0xFFFFFB00  }
0xbe: {  	[tilespmem:s9], [sflag:$0x2] =	stream.indirect.gather @p3 [hbm4b:s1+s5], $0x40, s7, s5, $0xb8;
	[tilespmem:$0x1CD40] =	vst v63  }
0xbf: {  	_ =	swait.ge @p3 [sflag:s11], $0x1400  }
0xc0: {  	[sflag:s11] =	ssyncset.done @p3 $0x0  }
0xc1: {  	s7 =	simm.s32 @p3 $0x4EC0;
	s9 =	simm.s32 @p3 $0xC940;
	[sflag:s11] =	ssyncadd.s32 @p3 $0xFFFFEC00  }
0xc2: {  	[spmem:s3] =	stream.indirect.scatter.add.f32 @p3 [tilespmem:s9], [sflag:$0x6], $0x40, s7, s5, $0xb8;
	[tilespmem:$0x1CD40] =	vst v63  }
0xc3: {  	_ =	swait.ge @p3 [sflag:s26], $0x1400  }
0xc4: {  	[sflag:s26] =	ssyncset.done @p3 $0x0  }
0xc5: {  	[sflag:s26] =	ssyncadd.s32 @p3 $0xFFFFEC00  }
0xc6: {  	[spmem:s4] =	stream.indirect.scatter.add.f32 @p3 [tilespmem:s6], [sflag:$0x6], $0x10, s7, s5, $0xb8;
	[tilespmem:$0x1CD40] =	vst v63  }
0xc7: {  	_ =	swait.ge @p3 [sflag:s26], $0x500  }
0xc8: {  	[sflag:s26] =	ssyncset.done @p3 $0x0  }
0xc9: {  	s29 =	simm.s32 $0x230;
	[sflag:s26] =	ssyncadd.s32 @p3 $0xFFFFFB00  }
0xca: {  	[tilespmem:s28], [sflag:$0x3] =	stream.indirect.gather [hbm4b:s1+s23], $0x40, s29, s23, $0xb8;
	[tilespmem:$0x1CD40] =	vst v63  }
0xcb: {  	_ =	swait.ge [sflag:s22], $0x1400  }
0xcc: {  	[sflag:s22] =	ssyncset.done $0x0  }
0xcd: {  	s7 =	simm.s32 $0x4F10;
	[sflag:s22] =	ssyncadd.s32 $0xFFFFEC00  }
0xce: {  	[spmem:s3] =	stream.indirect.scatter.add.f32 [tilespmem:s30], [sflag:$0x6], $0x40, s7, s23, $0xb8;
	[tilespmem:$0x1CD40] =	vst v63  }
0xcf: {  	_ =	swait.ge [sflag:s2], $0x1400  }
0xd0: {  	[sflag:s2] =	ssyncset.done $0x0  }
0xd1: {  	s11 =	simm.s32 @!p3 $0xDD40;
	s9 =	simm.s32 @!p3 $0x280;
	[sflag:s2] =	ssyncadd.s32 $0xFFFFEC00  }
0xd2: {  	[tilespmem:s11], [sflag:$0x4] =	stream.indirect.gather @!p3 [hbm4b:s1+s10], $0x40, s9, s10, $0xb8;
	[tilespmem:$0x1CD40] =	vst v63  }
0xd3: {  	s9 =	simm.s32 @!p3 $0x5  }
0xd4: {  	_ =	swait.ge @!p3 [sflag:s9], $0x1400  }
0xd5: {  	[sflag:s9] =	ssyncset.done @!p3 $0x0  }
0xd6: {  	s11 =	simm.s32 @!p3 $0x4F60;
	[sflag:s9] =	ssyncadd.s32 @!p3 $0xFFFFEC00;
	s9 =	simm.s32 @!p3 $0xF140  }
0xd7: {  	[spmem:s3] =	stream.indirect.scatter.add.f32 @!p3 [tilespmem:s9], [sflag:$0x6], $0x40, s11, s10, $0xb8;
	[tilespmem:$0x1CD40] =	vst v63  }
0xd8: {  	_ =	swait.ge @!p3 [sflag:s12], $0x1400  }
0xd9: {  	[sflag:s12] =	ssyncset.done @!p3 $0x0  }
0xda: {  	[sflag:s12] =	ssyncadd.s32 @!p3 $0xFFFFEC00  }
0xdb: {  	[spmem:s4] =	stream.indirect.scatter.add.f32 @p3 [tilespmem:s6], [sflag:$0x6], $0x10, s7, s5, $0xb8;
	[tilespmem:$0x1CD40] =	vst v63  }
0xdc: {  	_ =	swait.ge @p3 [sflag:s26], $0x500  }
0xdd: {  	[sflag:s26] =	ssyncset.done @p3 $0x0  }
0xde: {  	s9 =	simm.s32 @p3 $0xDD40;
	s7 =	simm.s32 @p3 $0x280;
	[sflag:s26] =	ssyncadd.s32 @p3 $0xFFFFFB00  }
0xdf: {  	[tilespmem:s9], [sflag:$0x4] =	stream.indirect.gather @p3 [hbm4b:s1+s5], $0x40, s7, s5, $0xb8;
	[tilespmem:$0x1CD40] =	vst v63  }
0xe0: {  	s7 =	simm.s32 @p3 $0x5  }
0xe1: {  	_ =	swait.ge @p3 [sflag:s7], $0x1400  }
0xe2: {  	[sflag:s7] =	ssyncset.done @p3 $0x0  }
0xe3: {  	s9 =	simm.s32 @p3 $0x4F60;
	[sflag:s7] =	ssyncadd.s32 @p3 $0xFFFFEC00;
	s7 =	simm.s32 @p3 $0xF140  }
0xe4: {  	[spmem:s3] =	stream.indirect.scatter.add.f32 @p3 [tilespmem:s7], [sflag:$0x6], $0x40, s9, s5, $0xb8;
	[tilespmem:$0x1CD40] =	vst v63  }
0xe5: {  	_ =	swait.ge @p3 [sflag:s26], $0x1400  }
0xe6: {  	[sflag:s26] =	ssyncset.done @p3 $0x0  }
0xe7: {  	[sflag:s26] =	ssyncadd.s32 @p3 $0xFFFFEC00  }
0xe8: {  	[spmem:s4] =	stream.indirect.scatter.add.f32 @p3 [tilespmem:s6], [sflag:$0x6], $0x10, s9, s5, $0xb8;
	[tilespmem:$0x1CD40] =	vst v63  }
0xe9: {  	_ =	swait.ge @p3 [sflag:s26], $0x500  }
0xea: {  	s5 =	simm.s32 $0x640;
	s6 =	simm.s32 $0x2D0;
	[sflag:s26] =	ssyncset.done @p3 $0x0  }
.LBB2_4:
0xeb: {  	[sflag:s26] =	ssyncadd.s32 @p3 $0xFFFFFB00  }
0xec: {  	s15 =	sadd.s32 $0x1, s15;
	s10 =	smov.u32 s5;
	s5 =	sadd.s32 $0x640, s5  }
0xed: {  	[tilespmem:s0], [sflag:$0x5] =	stream.indirect.gather [hbm4b:s1+s23], $0x40, s6, s23, $0xb8;
	[tilespmem:$0x1CD40] =	vst v63  }
0xee: {  	s6 =	sshra.s32 s10, $0x2;
	p4 =	sne.s32 s5, $0x13240;
	_ =	swait.ge [sflag:s19], $0x1400  }
0xef: {  	s11 =	sadd.s32 $0x4E20, s6;
	[sflag:s19] =	ssyncset.done $0x0  }
0xf0: {  	p3 =	por p1, p1;
	p5 =	slt.u32 s15, $0x19;
	[sflag:s19] =	ssyncadd.s32 $0xFFFFEC00  }
0xf1: {  	[spmem:s3] =	stream.indirect.scatter.add.f32 [tilespmem:s24], [sflag:$0x6], $0x40, s11, s23, $0xb8;
	[tilespmem:$0x1CD40] =	vst v63  }
0xf2: {  	p3 =	por @!p5 p0, p0;
	_ =	swait.ge [sflag:s2], $0x1400  }
0xf3: {  	s7 =	simm.s32 @p3 $0x50;
	s9 =	simm.s32 @p3 $0x9C40;
	[sflag:s2] =	ssyncset.done $0x0  }
0xf4: {  	s26 =	simm.s32 @p3 $0x6;
	s12 =	sshra.s32 @!p3 s10, $0x2;
	[sflag:s2] =	ssyncadd.s32 $0xFFFFEC00  }
0xf5: {  	[spmem:s4] =	stream.indirect.scatter.add.f32 @p3 [tilespmem:s9], [sflag:$0x6], $0x10, s11, s7, $0xb8;
	[tilespmem:$0x1CD40] =	vst v63  }
0xf6: {  	s17 =	sadd.s32 @!p3 $0x1E0, s12;
	s29 =	sadd.s32 @!p3 $0x4EC0, s12;
	_ =	swait.ge @p3 [sflag:s26], $0x500  }
0xf7: {  	s10 =	sshra.s32 @p3 s10, $0x2;
	s11 =	sadd.s32 $0x190, s6;
	[sflag:s26] =	ssyncset.done @p3 $0x0  }
0xf8: {  	s16 =	sadd.s32 @p3 $0x1E0, s10;
	s13 =	sadd.s32 @!p3 $0x280, s12;
	[sflag:s26] =	ssyncadd.s32 @p3 $0xFFFFFB00  }
0xf9: {  	[tilespmem:s24], [sflag:$0x1] =	stream.indirect.gather [hbm4b:s1+s23], $0x40, s11, s23, $0xb8;
	[tilespmem:$0x1CD40] =	vst v63  }
0xfa: {  	s12 =	sadd.s32 @!p3 $0x4F60, s12;
	s11 =	sadd.s32 @p3 $0x280, s10;
	_ =	swait.ge [sflag:s20], $0x1400  }
0xfb: {  	s18 =	sadd.s32 $0x4E70, s6;
	[sflag:s20] =	ssyncset.done $0x0  }
0xfc: {  	[sflag:s20] =	ssyncadd.s32 $0xFFFFEC00  }
0xfd: {  	[spmem:s3] =	stream.indirect.scatter.add.f32 [tilespmem:s25], [sflag:$0x6], $0x40, s18, s23, $0xb8;
	[tilespmem:$0x1CD40] =	vst v63  }
0xfe: {  	_ =	swait.ge [sflag:s2], $0x1400  }
0xff: {  	s14 =	simm.s32 @!p3 $0x50;
	s8 =	simm.s32 @!p3 $0xB540;
	[sflag:s2] =	ssyncset.done $0x0  }
0x100: {  	s21 =	simm.s32 @!p3 $0x3;
	[sflag:s2] =	ssyncadd.s32 $0xFFFFEC00  }
0x101: {  	[tilespmem:s8], [sflag:$0x2] =	stream.indirect.gather @!p3 [hbm4b:s1+s14], $0x40, s17, s14, $0xb8;
	[tilespmem:$0x1CD40] =	vst v63  }
0x102: {  	_ =	swait.ge @!p3 [sflag:s21], $0x1400  }
0x103: {  	s8 =	simm.s32 @!p3 $0xC940;
	[sflag:s21] =	ssyncset.done @!p3 $0x0  }
0x104: {  	s17 =	simm.s32 @!p3 $0x6;
	[sflag:s21] =	ssyncadd.s32 @!p3 $0xFFFFEC00  }
0x105: {  	[spmem:s3] =	stream.indirect.scatter.add.f32 @!p3 [tilespmem:s8], [sflag:$0x6], $0x40, s29, s14, $0xb8;
	[tilespmem:$0x1CD40] =	vst v63  }
0x106: {  	_ =	swait.ge @!p3 [sflag:s17], $0x1400  }
0x107: {  	[sflag:s17] =	ssyncset.done @!p3 $0x0  }
0x108: {  	[sflag:s17] =	ssyncadd.s32 @!p3 $0xFFFFEC00  }
0x109: {  	[spmem:s4] =	stream.indirect.scatter.add.f32 @p3 [tilespmem:s9], [sflag:$0x6], $0x10, s18, s7, $0xb8;
	[tilespmem:$0x1CD40] =	vst v63  }
0x10a: {  	_ =	swait.ge @p3 [sflag:s26], $0x500  }
0x10b: {  	s8 =	simm.s32 @p3 $0xB540;
	[sflag:s26] =	ssyncset.done @p3 $0x0  }
0x10c: {  	s18 =	simm.s32 @p3 $0x3;
	[sflag:s26] =	ssyncadd.s32 @p3 $0xFFFFFB00  }
0x10d: {  	[tilespmem:s8], [sflag:$0x2] =	stream.indirect.gather @p3 [hbm4b:s1+s7], $0x40, s16, s7, $0xb8;
	[tilespmem:$0x1CD40] =	vst v63  }
0x10e: {  	_ =	swait.ge @p3 [sflag:s18], $0x1400  }
0x10f: {  	s8 =	sadd.s32 @p3 $0x4EC0, s10;
	s16 =	simm.s32 @p3 $0xC940;
	[sflag:s18] =	ssyncset.done @p3 $0x0  }
0x110: {  	[sflag:s18] =	ssyncadd.s32 @p3 $0xFFFFEC00  }
0x111: {  	[spmem:s3] =	stream.indirect.scatter.add.f32 @p3 [tilespmem:s16], [sflag:$0x6], $0x40, s8, s7, $0xb8;
	[tilespmem:$0x1CD40] =	vst v63  }
0x112: {  	_ =	swait.ge @p3 [sflag:s26], $0x1400  }
0x113: {  	[sflag:s26] =	ssyncset.done @p3 $0x0  }
0x114: {  	[sflag:s26] =	ssyncadd.s32 @p3 $0xFFFFEC00  }
0x115: {  	[spmem:s4] =	stream.indirect.scatter.add.f32 @p3 [tilespmem:s9], [sflag:$0x6], $0x10, s8, s7, $0xb8;
	[tilespmem:$0x1CD40] =	vst v63  }
0x116: {  	_ =	swait.ge @p3 [sflag:s26], $0x500  }
0x117: {  	s8 =	sadd.s32 $0x230, s6;
	[sflag:s26] =	ssyncset.done @p3 $0x0  }
0x118: {  	[sflag:s26] =	ssyncadd.s32 @p3 $0xFFFFFB00  }
0x119: {  	[tilespmem:s28], [sflag:$0x3] =	stream.indirect.gather [hbm4b:s1+s23], $0x40, s8, s23, $0xb8;
	[tilespmem:$0x1CD40] =	vst v63  }
0x11a: {  	_ =	swait.ge [sflag:s22], $0x1400  }
0x11b: {  	s8 =	sadd.s32 $0x4F10, s6;
	[sflag:s22] =	ssyncset.done $0x0  }
0x11c: {  	[sflag:s22] =	ssyncadd.s32 $0xFFFFEC00  }
0x11d: {  	[spmem:s3] =	stream.indirect.scatter.add.f32 [tilespmem:s30], [sflag:$0x6], $0x40, s8, s23, $0xb8;
	[tilespmem:$0x1CD40] =	vst v63  }
0x11e: {  	_ =	swait.ge [sflag:s2], $0x1400  }
0x11f: {  	s16 =	simm.s32 @!p3 $0xDD40;
	[sflag:s2] =	ssyncset.done $0x0  }
0x120: {  	s18 =	simm.s32 @!p3 $0x5;
	[sflag:s2] =	ssyncadd.s32 $0xFFFFEC00  }
0x121: {  	[tilespmem:s16], [sflag:$0x4] =	stream.indirect.gather @!p3 [hbm4b:s1+s14], $0x40, s13, s14, $0xb8;
	[tilespmem:$0x1CD40] =	vst v63  }
0x122: {  	_ =	swait.ge @!p3 [sflag:s18], $0x1400  }
0x123: {  	s13 =	simm.s32 @!p3 $0xF140;
	[sflag:s18] =	ssyncset.done @!p3 $0x0  }
0x124: {  	[sflag:s18] =	ssyncadd.s32 @!p3 $0xFFFFEC00  }
0x125: {  	[spmem:s3] =	stream.indirect.scatter.add.f32 @!p3 [tilespmem:s13], [sflag:$0x6], $0x40, s12, s14, $0xb8;
	[tilespmem:$0x1CD40] =	vst v63  }
0x126: {  	_ =	swait.ge @!p3 [sflag:s17], $0x1400  }
0x127: {  	[sflag:s17] =	ssyncset.done @!p3 $0x0  }
0x128: {  	[sflag:s17] =	ssyncadd.s32 @!p3 $0xFFFFEC00  }
0x129: {  	[spmem:s4] =	stream.indirect.scatter.add.f32 @p3 [tilespmem:s9], [sflag:$0x6], $0x10, s8, s7, $0xb8;
	[tilespmem:$0x1CD40] =	vst v63  }
0x12a: {  	_ =	swait.ge @p3 [sflag:s26], $0x500  }
0x12b: {  	s8 =	simm.s32 @p3 $0xDD40;
	[sflag:s26] =	ssyncset.done @p3 $0x0  }
0x12c: {  	s12 =	simm.s32 @p3 $0x5;
	[sflag:s26] =	ssyncadd.s32 @p3 $0xFFFFFB00  }
0x12d: {  	[tilespmem:s8], [sflag:$0x4] =	stream.indirect.gather @p3 [hbm4b:s1+s7], $0x40, s11, s7, $0xb8;
	[tilespmem:$0x1CD40] =	vst v63  }
0x12e: {  	_ =	swait.ge @p3 [sflag:s12], $0x1400  }
0x12f: {  	s8 =	sadd.s32 @p3 $0x4F60, s10;
	s10 =	simm.s32 @p3 $0xF140;
	[sflag:s12] =	ssyncset.done @p3 $0x0  }
0x130: {  	[sflag:s12] =	ssyncadd.s32 @p3 $0xFFFFEC00  }
0x131: {  	[spmem:s3] =	stream.indirect.scatter.add.f32 @p3 [tilespmem:s10], [sflag:$0x6], $0x40, s8, s7, $0xb8;
	[tilespmem:$0x1CD40] =	vst v63  }
0x132: {  	_ =	swait.ge @p3 [sflag:s26], $0x1400  }
.Ltmp1:
0x133: {  	[sflag:s26] =	ssyncset.done @p3 $0x0;
	(pc) =	sbr.rel @p4 .LBB2_4-.Ltmp1, $4  }
0x134: {  	[sflag:s26] =	ssyncadd.s32 @p3 $0xFFFFEC00  }
0x135: {  	[spmem:s4] =	stream.indirect.scatter.add.f32 @p3 [tilespmem:s9], [sflag:$0x6], $0x10, s8, s7, $0xb8;
	[tilespmem:$0x1CD40] =	vst v63  }
0x136: {  	_ =	swait.ge @p3 [sflag:s26], $0x500  }
0x137: {  	s6 =	sadd.s32 $0x2D0, s6;
	[sflag:s26] =	ssyncset.done @p3 $0x0  }
0x138: {  	[sflag:s26] =	ssyncadd.s32 @p3 $0xFFFFFB00  }
0x139: {  	[tilespmem:s0], [sflag:$0x5] =	stream.indirect.gather [hbm4b:s1+s23], $0x40, s6, s23, $0xb8;
	[tilespmem:$0x1CD40] =	vst v63  }
0x13a: {  	_ =	swait.ge [sflag:s19], $0x1400  }
0x13b: {  	[sflag:s19] =	ssyncset.done $0x0  }
0x13c: {  	s5 =	simm.s32 $0x9AB0;
	[sflag:s19] =	ssyncadd.s32 $0xFFFFEC00  }
0x13d: {  	[spmem:s3] =	stream.indirect.scatter.add.f32 [tilespmem:s24], [sflag:$0x6], $0x40, s5, s23, $0xb8;
	[tilespmem:$0x1CD40] =	vst v63  }
0x13e: {  	_ =	swait.ge [sflag:s2], $0x1400  }
0x13f: {  	[sflag:s2] =	ssyncset.done $0x0  }
0x140: {  	s5 =	simm.s32 @p2 $0x2;
	[sflag:s2] =	ssyncadd.s32 $0xFFFFEC00  }
0x141: {  	_ =	swait.ge @p2 [sflag:s5], $0x1400  }
0x142: {  	s8 =	simm.s32 @p2 $0x50;
	s9 =	simm.s32 @p2 $0x6;
	[sflag:s5] =	ssyncset.done @p2 $0x0  }
0x143: {  	s6 =	simm.s32 @p2 $0xB540;
	[sflag:s5] =	ssyncadd.s32 @p2 $0xFFFFEC00;
	s5 =	simm.s32 @p2 $0x9B00  }
0x144: {  	[spmem:s3] =	stream.indirect.scatter.add.f32 @p2 [tilespmem:s6], [sflag:$0x6], $0x40, s5, s8, $0xb8;
	[tilespmem:$0x1CD40] =	vst v63  }
0x145: {  	_ =	swait.ge @p2 [sflag:s9], $0x1400  }
0x146: {  	s7 =	simm.s32 @!p2 $0x9C40;
	[sflag:s9] =	ssyncset.done @p2 $0x0  }
0x147: {  	s5 =	simm.s32 @!p2 $0x50;
	s6 =	simm.s32 @!p2 $0x9AB0;
	[sflag:s9] =	ssyncadd.s32 @p2 $0xFFFFEC00  }
0x148: {  	[spmem:s4] =	stream.indirect.scatter.add.f32 @!p2 [tilespmem:s7], [sflag:$0x6], $0x10, s6, s5, $0xb8;
	[tilespmem:$0x1CD40] =	vst v63  }
0x149: {  	s6 =	simm.s32 @!p2 $0x6  }
0x14a: {  	_ =	swait.ge @!p2 [sflag:s6], $0x500  }
0x14b: {  	[sflag:s6] =	ssyncset.done @!p2 $0x0  }
0x14c: {  	s10 =	simm.s32 @!p2 $0x2;
	[sflag:s6] =	ssyncadd.s32 @!p2 $0xFFFFFB00  }
0x14d: {  	_ =	swait.ge @!p2 [sflag:s10], $0x1400  }
0x14e: {  	[sflag:s10] =	ssyncset.done @!p2 $0x0  }
0x14f: {  	s11 =	simm.s32 @!p2 $0xB540;
	[sflag:s10] =	ssyncadd.s32 @!p2 $0xFFFFEC00;
	s10 =	simm.s32 @!p2 $0x9B00  }
0x150: {  	[spmem:s3] =	stream.indirect.scatter.add.f32 @!p2 [tilespmem:s11], [sflag:$0x6], $0x40, s10, s5, $0xb8;
	[tilespmem:$0x1CD40] =	vst v63  }
0x151: {  	_ =	swait.ge @!p2 [sflag:s6], $0x1400  }
0x152: {  	[sflag:s6] =	ssyncset.done @!p2 $0x0  }
0x153: {  	[sflag:s6] =	ssyncadd.s32 @!p2 $0xFFFFEC00  }
0x154: {  	[spmem:s4] =	stream.indirect.scatter.add.f32 @!p2 [tilespmem:s7], [sflag:$0x6], $0x10, s10, s5, $0xb8;
	[tilespmem:$0x1CD40] =	vst v63  }
0x155: {  	_ =	swait.ge @!p2 [sflag:s6], $0x500  }
0x156: {  	[sflag:s6] =	ssyncset.done @!p2 $0x0  }
0x157: {  	s12 =	simm.s32 $0x3;
	[sflag:s6] =	ssyncadd.s32 @!p2 $0xFFFFFB00  }
0x158: {  	_ =	swait.ge [sflag:s12], $0x1400  }
0x159: {  	[sflag:s12] =	ssyncset.done $0x0  }
0x15a: {  	s29 =	simm.s32 $0x9B50;
	[sflag:s12] =	ssyncadd.s32 $0xFFFFEC00  }
0x15b: {  	[spmem:s3] =	stream.indirect.scatter.add.f32 [tilespmem:s28], [sflag:$0x6], $0x40, s29, s23, $0xb8;
	[tilespmem:$0x1CD40] =	vst v63  }
0x15c: {  	_ =	swait.ge [sflag:s2], $0x1400  }
0x15d: {  	[sflag:s2] =	ssyncset.done $0x0  }
0x15e: {  	s10 =	simm.s32 @p2 $0x4;
	[sflag:s2] =	ssyncadd.s32 $0xFFFFEC00  }
0x15f: {  	_ =	swait.ge @p2 [sflag:s10], $0x1400  }
0x160: {  	[sflag:s10] =	ssyncset.done @p2 $0x0  }
0x161: {  	s11 =	simm.s32 @p2 $0xDD40;
	[sflag:s10] =	ssyncadd.s32 @p2 $0xFFFFEC00;
	s10 =	simm.s32 @p2 $0x9BA0  }
0x162: {  	[spmem:s3] =	stream.indirect.scatter.add.f32 @p2 [tilespmem:s11], [sflag:$0x6], $0x40, s10, s8, $0xb8;
	[tilespmem:$0x1CD40] =	vst v63  }
0x163: {  	_ =	swait.ge @p2 [sflag:s9], $0x1400  }
0x164: {  	[sflag:s9] =	ssyncset.done @p2 $0x0  }
0x165: {  	s8 =	simm.s32 @!p2 $0x9B50;
	[sflag:s9] =	ssyncadd.s32 @p2 $0xFFFFEC00  }
0x166: {  	[spmem:s4] =	stream.indirect.scatter.add.f32 @!p2 [tilespmem:s7], [sflag:$0x6], $0x10, s8, s5, $0xb8;
	[tilespmem:$0x1CD40] =	vst v63  }
0x167: {  	_ =	swait.ge @!p2 [sflag:s6], $0x500  }
0x168: {  	[sflag:s6] =	ssyncset.done @!p2 $0x0  }
0x169: {  	s8 =	simm.s32 @!p2 $0x4;
	[sflag:s6] =	ssyncadd.s32 @!p2 $0xFFFFFB00  }
0x16a: {  	_ =	swait.ge @!p2 [sflag:s8], $0x1400  }
0x16b: {  	[sflag:s8] =	ssyncset.done @!p2 $0x0  }
0x16c: {  	s9 =	simm.s32 @!p2 $0xDD40;
	[sflag:s8] =	ssyncadd.s32 @!p2 $0xFFFFEC00;
	s8 =	simm.s32 @!p2 $0x9BA0  }
0x16d: {  	[spmem:s3] =	stream.indirect.scatter.add.f32 @!p2 [tilespmem:s9], [sflag:$0x6], $0x40, s8, s5, $0xb8;
	[tilespmem:$0x1CD40] =	vst v63  }
0x16e: {  	_ =	swait.ge @!p2 [sflag:s6], $0x1400  }
0x16f: {  	[sflag:s6] =	ssyncset.done @!p2 $0x0  }
0x170: {  	[sflag:s6] =	ssyncadd.s32 @!p2 $0xFFFFEC00  }
0x171: {  	[spmem:s4] =	stream.indirect.scatter.add.f32 @!p2 [tilespmem:s7], [sflag:$0x6], $0x10, s8, s5, $0xb8;
	[tilespmem:$0x1CD40] =	vst v63  }
0x172: {  	_ =	swait.ge @!p2 [sflag:s6], $0x500  }
0x173: {  	[sflag:s6] =	ssyncset.done @!p2 $0x0  }
0x174: {  	s11 =	simm.s32 $0x5;
	[sflag:s6] =	ssyncadd.s32 @!p2 $0xFFFFFB00  }
0x175: {  	_ =	swait.ge [sflag:s11], $0x1400  }
0x176: {  	[sflag:s11] =	ssyncset.done $0x0  }
0x177: {  	s13 =	simm.s32 $0x9BF0;
	[sflag:s11] =	ssyncadd.s32 $0xFFFFEC00  }
0x178: {  	[spmem:s3] =	stream.indirect.scatter.add.f32 [tilespmem:s0], [sflag:$0x6], $0x40, s13, s23, $0xb8;
	[tilespmem:$0x1CD40] =	vst v63  }
0x179: {  	_ =	swait.ge [sflag:s2], $0x1400  }
0x17a: {  	[sflag:s2] =	ssyncset.done $0x0  }
0x17b: {  	s8 =	simm.s32 @!p2 $0x9BF0;
	[sflag:s2] =	ssyncadd.s32 $0xFFFFEC00  }
0x17c: {  	[spmem:s4] =	stream.indirect.scatter.add.f32 @!p2 [tilespmem:s7], [sflag:$0x6], $0x10, s8, s5, $0xb8;
	[tilespmem:$0x1CD40] =	vst v63  }
0x17d: {  	_ =	swait.ge @!p2 [sflag:s6], $0x500  }
0x17e: {  	[sflag:s6] =	ssyncset.done @!p2 $0x0  }
0x17f: {  	[sflag:s6] =	ssyncadd.s32 @!p2 $0xFFFFFB00  }
0x180: {  	[bflag:$0x0] =	sbarrier.arrive $0xFFFF  }
0x181: {  	s14 =	rddreg [dreg:$0x8]  }
0x182: {  	s17 =	simm.s32 $0x10;
	s16 =	rddreg [dreg:$0xc]  }
0x183: {  	s18 =	simm.s32 $0x8;
	s9 =	rddreg [dreg:$0xf];
	s15 =	sor.u32 $0x1C01, s14  }
0x184: {  	[hbm:s16@s17], [sflag:s15] =	dma.strided [spmem:s9@s18], $0x1400, s19, $0x8   }
0x185: {  	s26 =	rddreg [dreg:$0xd]  }
0x186: {  	s21 =	sor.u32 $0x1C02, s14;
	s8 =	rddreg [dreg:$0x11]  }
0x187: {  	[hbm:s26@s22], [sflag:s21] =	dma.strided [spmem:s8@s20], $0x500, s19, $0x2   }
0x188: {  	_ =	swait.ge [sflag:s19], $0x1400  }
0x189: {  	[sflag:s19] =	ssyncset.done $0x0  }
0x18a: {  	[sflag:s19] =	ssyncadd.s32 $0xFFFFEC00  }
0x18b: {  	_ =	swait.ge [sflag:s20], $0x500  }
0x18c: {  	s31 =	sadd.s32 $0x1, s31;
	s29 =	rddreg [dreg:$0xe]  }
0x18d: {  	p3 =	sne.s32 s31, s29  }
.Ltmp2:
0x18e: {  	_ = 	snop;
	(pc) =	sbr.rel @p3 .LBB2_1-.Ltmp2, $3  }
0x18f: {  	_ =	sdelay $0x1  }
0x190: {  	[sflag:s20] =	ssyncset.done $0x0  }
0x191: {  	[sflag:s20] =	ssyncadd.s32 $0xFFFFFB00  }
0x192: {  	_ =	sfence.sel $0x180000  }
0x193: {  	[bflag:$0x0] =	sbarrier.arrive $0xFFFF  }
0x194: {  	_ =	strace $0x90000047  }
0x195: {  	s0 =	stileid.u32;
	[bflag:$0x2] =	sbarrier.arrive $0xFFFF  }
0x196: {  	p0 =	sne.s32 s0, $0x0;
	s0 =	rddreg [dreg:$0x5]  }
0x197: {  	s0 =	sadd.s32 @!p0 $0x100000, s0  }
0x198: {  	[sflag:s0] =	ssyncadd.tile.s32 @!p0 $0x1;
	_ =	shalt  }
.Lfunc_end2:
_tile_overlayer_lowered:
.L_overlay_start_2:
0x199: {  	(tag) =	ssettag $0x2  }
0x19a: {  	s0 =	rddreg [dreg:$0x0];
	s2 =	stileid.u32  }
0x19b: {  	s1 =	rddreg [dreg:$0x1];
	p0 =	sne.s32 s2, $0x0  }
0x19c: {  	s3 =	rddreg [dreg:$0x2];
	[bflag:$0x3] =	sbarrier.arrive $0xFFFF;
	s2 =	simm.s32 @!p0 $0x1C06  }
0x19d: {  	[timem:s3], [sflag:s2] =	dma.local @!p0 [hbm:s0], s1  }
0x19e: {  	s0 =	simm.s32 @!p0 $0x6  }
0x19f: {  	_ =	swait.ge @!p0 [sflag:s0], s1  }
0x1a0: {  	s1 =	ssub.s32 @!p0 $0x0, s1;
	[sflag:s0] =	ssyncset.done @!p0 $0x0  }
0x1a1: {  	[sflag:s0] =	ssyncadd.s32 @!p0 s1  }
0x1a2: {  	[bflag:$0x3] =	sbarrier.arrive $0xFFFF  }
0x1a3: {  	_ =	shalt  }

</sc_bundles>
